<compile_context>
chip_gen: v7x
topology: tpu7x:2x2x1
jax: 0.10.2.dev20260603
libtpu: 0.0.44.dev20260713+nightly
codegen_flags: <defaults>
</compile_context>

<pallas_src>
import functools
import math

import jax
import jax.numpy as jnp
from jax.experimental import pallas as pl
from jax.experimental.pallas import tpu as pltpu

B, S, D = 1, 2048, 1024
H, DH = 16, 64
E, K, FF = 8, 2, 4096
ALPHA, CZ = 0.01, 0.001
T = B * S

BLK = 256
NB = (T * K) // BLK + E
NS = NB * BLK
NF = 4
FBLK = FF // NF
RB = 256


def _qkv_body(x_ref, g_ref, b_ref, wq_ref, bq_ref, wk_ref, bk_ref,
              wv_ref, bv_ref, q_ref, k_ref, v_ref):
    xx = x_ref[...]
    m = jnp.mean(xx, axis=-1, keepdims=True)
    v = jnp.mean((xx - m) ** 2, axis=-1, keepdims=True)
    hn = (xx - m) * jax.lax.rsqrt(v + 1e-5) * g_ref[...] + b_ref[...]
    q_ref[...] = jnp.dot(hn, wq_ref[...],
                         preferred_element_type=jnp.float32) + bq_ref[...]
    k_ref[...] = jnp.dot(hn, wk_ref[...],
                         preferred_element_type=jnp.float32) + bk_ref[...]
    v_ref[...] = jnp.dot(hn, wv_ref[...],
                         preferred_element_type=jnp.float32) + bv_ref[...]


def _qkv(x2d, ln1_g, ln1_b, Wq, bq, Wk, bk, Wv, bv):
    row = pl.BlockSpec((RB, D), lambda i: (i, 0))
    full = pl.BlockSpec((D, D), lambda i: (0, 0))
    vec = pl.BlockSpec((1, D), lambda i: (0, 0))
    return pl.pallas_call(
        _qkv_body,
        grid=(T // RB,),
        in_specs=[row, vec, vec, full, vec, full, vec, full, vec],
        out_specs=[row, row, row],
        out_shape=[jax.ShapeDtypeStruct((T, D), jnp.float32)] * 3,
        compiler_params=pltpu.CompilerParams(
            dimension_semantics=("arbitrary",),
        ),
    )(x2d, ln1_g.reshape(1, D), ln1_b.reshape(1, D), Wq, bq.reshape(1, D),
      Wk, bk.reshape(1, D), Wv, bv.reshape(1, D))


def _attn_body(q_ref, k_ref, v_ref, o_ref):
    q = q_ref[0]
    k = k_ref[0]
    vv = v_ref[0]
    s = jax.lax.dot_general(q, k, (((1,), (1,)), ((), ())),
                            preferred_element_type=jnp.float32)
    s = s * (1.0 / math.sqrt(DH))
    s = s - jnp.max(s, axis=-1, keepdims=True)
    p = jnp.exp(s)
    p = p / jnp.sum(p, axis=-1, keepdims=True)
    o_ref[0] = jnp.dot(p, vv, preferred_element_type=jnp.float32)


def _attention(qh, kh, vh):
    spec = pl.BlockSpec((1, S, DH), lambda h: (h, 0, 0))
    return pl.pallas_call(
        _attn_body,
        grid=(H,),
        in_specs=[spec, spec, spec],
        out_specs=spec,
        out_shape=jax.ShapeDtypeStruct((H, S, DH), jnp.float32),
        compiler_params=pltpu.CompilerParams(
            dimension_semantics=("arbitrary",),
        ),
    )(qh, kh, vh)


def _post_body(o_ref, x_ref, wo_ref, bo_ref, g2_ref, b2_ref, wr_ref,
               xa_ref, z_ref, i0_ref, i1_ref, w0_ref, w1_ref,
               gate_ref, lse_ref, gate_acc, lse_acc):
    step = pl.program_id(0)
    nstep = pl.num_programs(0)

    @pl.when(step == 0)
    def _init():
        gate_acc[...] = jnp.zeros_like(gate_acc)
        lse_acc[...] = jnp.zeros_like(lse_acc)

    xa = x_ref[...] + jnp.dot(o_ref[...], wo_ref[...],
                              preferred_element_type=jnp.float32) + bo_ref[...]
    xa_ref[...] = xa
    m = jnp.mean(xa, axis=-1, keepdims=True)
    v = jnp.mean((xa - m) ** 2, axis=-1, keepdims=True)
    z = (xa - m) * jax.lax.rsqrt(v + 1e-5) * g2_ref[...] + b2_ref[...]
    z_ref[...] = z

    lg = jnp.dot(z, wr_ref[...], preferred_element_type=jnp.float32)
    lane = jax.lax.broadcasted_iota(jnp.int32, (RB, 128), 1)
    neg = jnp.float32(-1e30)
    lgm = jnp.where(lane < E, lg, neg)
    m1 = jnp.max(lgm, axis=-1, keepdims=True)
    i1 = jnp.min(jnp.where(lgm == m1, lane, 127), axis=-1, keepdims=True)
    lg2 = jnp.where(lane == i1, neg, lgm)
    m2 = jnp.max(lg2, axis=-1, keepdims=True)
    i2 = jnp.min(jnp.where(lg2 == m2, lane, 127), axis=-1, keepdims=True)
    e21 = jnp.exp(m2 - m1)
    w1 = 1.0 / (1.0 + e21)
    w2 = e21 / (1.0 + e21)
    i0_ref[...] = jnp.broadcast_to(i1, (RB, 128))
    i1_ref[...] = jnp.broadcast_to(i2, (RB, 128))
    w0_ref[...] = jnp.broadcast_to(w1, (RB, 128))
    w1_ref[...] = jnp.broadcast_to(w2, (RB, 128))

    ex = jnp.where(lane < E, jnp.exp(lgm - m1), 0.0)
    den = jnp.sum(ex, axis=-1, keepdims=True)
    gate_acc[0:1, :] += jnp.sum(ex / den, axis=0, keepdims=True)
    lse = m1 + jnp.log(den)
    lse_acc[0:1, 0:1] += jnp.sum(lse * lse, axis=0, keepdims=True)[:, 0:1]

    @pl.when(step == nstep - 1)
    def _fin():
        gate_ref[...] = gate_acc[...]
        lse_ref[...] = lse_acc[...]


def _post_attn(o, x2d, Wo, bo, ln2_g, ln2_b, Wr):
    wr_pad = jnp.zeros((D, 128), jnp.float32).at[:, :E].set(Wr.T)
    nstep = T // RB
    outs = pl.pallas_call(
        _post_body,
        grid=(nstep,),
        in_specs=[
            pl.BlockSpec((RB, D), lambda i: (i, 0)),
            pl.BlockSpec((RB, D), lambda i: (i, 0)),
            pl.BlockSpec((D, D), lambda i: (0, 0)),
            pl.BlockSpec((1, D), lambda i: (0, 0)),
            pl.BlockSpec((1, D), lambda i: (0, 0)),
            pl.BlockSpec((1, D), lambda i: (0, 0)),
            pl.BlockSpec((D, 128), lambda i: (0, 0)),
        ],
        out_specs=[
            pl.BlockSpec((RB, D), lambda i: (i, 0)),
            pl.BlockSpec((RB, D), lambda i: (i, 0)),
            pl.BlockSpec((RB, 128), lambda i: (i, 0)),
            pl.BlockSpec((RB, 128), lambda i: (i, 0)),
            pl.BlockSpec((RB, 128), lambda i: (i, 0)),
            pl.BlockSpec((RB, 128), lambda i: (i, 0)),
            pl.BlockSpec((8, 128), lambda i: (0, 0)),
            pl.BlockSpec((8, 128), lambda i: (0, 0)),
        ],
        out_shape=[
            jax.ShapeDtypeStruct((T, D), jnp.float32),
            jax.ShapeDtypeStruct((T, D), jnp.float32),
            jax.ShapeDtypeStruct((T, 128), jnp.int32),
            jax.ShapeDtypeStruct((T, 128), jnp.int32),
            jax.ShapeDtypeStruct((T, 128), jnp.float32),
            jax.ShapeDtypeStruct((T, 128), jnp.float32),
            jax.ShapeDtypeStruct((8, 128), jnp.float32),
            jax.ShapeDtypeStruct((8, 128), jnp.float32),
        ],
        scratch_shapes=[
            pltpu.VMEM((8, 128), jnp.float32),
            pltpu.VMEM((8, 128), jnp.float32),
        ],
        compiler_params=pltpu.CompilerParams(
            dimension_semantics=("arbitrary",),
        ),
    )(o, x2d, Wo, bo.reshape(1, D), ln2_g.reshape(1, D),
      ln2_b.reshape(1, D), wr_pad)
    return outs


def _ffn_body(m_ref, x_ref, w1_ref, b1_ref, w2_ref, b2_ref, o_ref, acc):
    b = pl.program_id(0)
    j = pl.program_id(1)
    used = m_ref[NB]

    @pl.when(b < used)
    def _():
        @pl.when(j == 0)
        def _z():
            acc[...] = jnp.zeros_like(acc)

        h = jnp.dot(x_ref[...], w1_ref[0],
                    preferred_element_type=jnp.float32) + b1_ref[0]
        h = 0.5 * h * (1.0 + jax.lax.erf(h * jnp.float32(0.7071067811865476)))
        acc[...] += jnp.dot(h, w2_ref[0], preferred_element_type=jnp.float32)

        @pl.when(j == NF - 1)
        def _w():
            o_ref[...] = acc[...] + b2_ref[0]


def _expert_ffn(meta, xs, We1, be1, We2, be2):
    def xmap(b, j, m):
        bb = jnp.where(b < m[NB], b, m[NB] - 1)
        return (bb, 0)

    grid_spec = pltpu.PrefetchScalarGridSpec(
        num_scalar_prefetch=1,
        grid=(NB, NF),
        in_specs=[
            pl.BlockSpec((BLK, D), xmap),
            pl.BlockSpec((1, D, FBLK), lambda b, j, m: (m[b], 0, j)),
            pl.BlockSpec((1, 1, FBLK), lambda b, j, m: (m[b] * NF + j, 0, 0)),
            pl.BlockSpec((1, FBLK, D), lambda b, j, m: (m[b], j, 0)),
            pl.BlockSpec((1, 1, D), lambda b, j, m: (m[b], 0, 0)),
        ],
        out_specs=pl.BlockSpec((BLK, D), xmap),
        scratch_shapes=[pltpu.VMEM((BLK, D), jnp.float32)],
    )
    return pl.pallas_call(
        _ffn_body,
        grid_spec=grid_spec,
        out_shape=jax.ShapeDtypeStruct((NS, D), jnp.float32),
        compiler_params=pltpu.CompilerParams(
            dimension_semantics=("arbitrary", "arbitrary"),
        ),
    )(meta, xs, We1, be1.reshape(E * NF, 1, FBLK), We2,
      be2.reshape(E, 1, D))


def kernel(x, ln1_g, ln1_b, ln2_g, ln2_b, Wq, bq, Wk, bk, Wv, bv, Wo, bo,
           Wr, We1, be1, We2, be2):
    x2d = x.reshape(T, D)
    q, k, v = _qkv(x2d, ln1_g, ln1_b, Wq, bq, Wk, bk, Wv, bv)
    qh = q.reshape(S, H, DH).transpose(1, 0, 2)
    kh = k.reshape(S, H, DH).transpose(1, 0, 2)
    vh = v.reshape(S, H, DH).transpose(1, 0, 2)
    oh = _attention(qh, kh, vh)
    o = oh.transpose(1, 0, 2).reshape(T, D)
    (xa, z, i0f, i1f, w0f, w1f, gate_sum, lse2) = _post_attn(
        o, x2d, Wo, bo, ln2_g, ln2_b, Wr)

    i0 = i0f[:, 0]
    i1 = i1f[:, 0]
    w0 = w0f[:, 0]
    w1 = w1f[:, 0]

    e_all = jnp.concatenate([i0, i1])
    onehot = (e_all[:, None] == jnp.arange(E)[None, :]).astype(jnp.int32)
    counts = jnp.sum(onehot, axis=0)
    padc = ((counts + BLK - 1) // BLK) * BLK
    off = jnp.concatenate([jnp.zeros((1,), jnp.int32),
                           jnp.cumsum(padc)[:-1].astype(jnp.int32)])
    rank = jnp.cumsum(onehot, axis=0) - onehot
    my_rank = jnp.take_along_axis(rank, e_all[:, None], axis=1)[:, 0]
    dest_all = off[e_all] + my_rank
    dest0, dest1 = dest_all[:T], dest_all[T:]

    used = jnp.sum(padc) // BLK
    bstart = off // BLK
    barange = jnp.arange(NB, dtype=jnp.int32)
    be_raw = jnp.sum(barange[:, None] >= bstart[None, :], axis=1) - 1
    be_last = be_raw[jnp.maximum(used - 1, 0)]
    be = jnp.where(barange < used, be_raw, be_last).astype(jnp.int32)
    meta = jnp.concatenate([be, used.astype(jnp.int32)[None]])

    xs = jnp.zeros((NS, D), jnp.float32).at[dest0].set(z).at[dest1].set(z)
    os_ = _expert_ffn(meta, xs, We1, be1, We2, be2)
    y2d = xa + w0[:, None] * os_[dest0] + w1[:, None] * os_[dest1]

    gate_mean = gate_sum[0, :E] / T
    l_aux = ALPHA * E * jnp.sum((counts.astype(jnp.float32) / (T * K))
                                * gate_mean)
    cz_lz = CZ * lse2[0, 0] / T
    return y2d.reshape(B, S, D), l_aux, cz_lz

# --- scband reference (transcript-rebuilt; emitter-appended) ---
"""Pipeline reference for scband-transformer-block-module-78503412236863 (READ-ONLY COPY).

The authoritative reference and input builder live on the scoring server;
editing this copy changes nothing except your own understanding.
"""

import jax, jax.numpy as jnp
import numpy as np

B, S, D = 1, 2048, 1024
H, DH = 16, 64
E, K, FF = 8, 2, 4096
ALPHA, CZ = 0.01, 0.001
T = B * S


def _ln(x, g, b, eps=1e-5):
    m = jnp.mean(x, axis=-1, keepdims=True)
    v = jnp.mean((x - m) ** 2, axis=-1, keepdims=True)
    return (x - m) / jnp.sqrt(v + eps) * g + b


def setup_inputs(seed: int = 0):
    key = jax.random.key(seed)
    ks = jax.random.split(key, 12)
    s = 0.02
    f32 = jnp.float32
    return {
        "x": jax.random.normal(ks[0], (B, S, D), f32),
        "ln1_g": jnp.ones((D,), f32), "ln1_b": jnp.zeros((D,), f32),
        "ln2_g": jnp.ones((D,), f32), "ln2_b": jnp.zeros((D,), f32),
        "Wq": jax.random.normal(ks[1], (D, D), f32) * s, "bq": jnp.zeros((D,), f32),
        "Wk": jax.random.normal(ks[2], (D, D), f32) * s, "bk": jnp.zeros((D,), f32),
        "Wv": jax.random.normal(ks[3], (D, D), f32) * s, "bv": jnp.zeros((D,), f32),
        "Wo": jax.random.normal(ks[4], (D, D), f32) * s, "bo": jnp.zeros((D,), f32),
        "Wr": jax.random.normal(ks[5], (E, D), f32) * s,
        "We1": jax.random.normal(ks[6], (E, D, FF), f32) * s, "be1": jnp.zeros((E, FF), f32),
        "We2": jax.random.normal(ks[7], (E, FF, D), f32) * s, "be2": jnp.zeros((E, D), f32),
    }


def reference(x, ln1_g, ln1_b, ln2_g, ln2_b, Wq, bq, Wk, bk, Wv, bv, Wo, bo, Wr, We1, be1, We2, be2):
    # pre-LN self-attention sublayer
    h = _ln(x, ln1_g, ln1_b)
    q = (h @ Wq + bq).reshape(B, S, H, DH).transpose(0, 2, 1, 3)
    k = (h @ Wk + bk).reshape(B, S, H, DH).transpose(0, 2, 1, 3)
    v = (h @ Wv + bv).reshape(B, S, H, DH).transpose(0, 2, 1, 3)
    a = jax.nn.softmax((q @ k.transpose(0, 1, 3, 2)) / np.sqrt(DH), axis=-1)
    o = (a @ v).transpose(0, 2, 1, 3).reshape(B, S, D) @ Wo + bo
    xa = x + o
    # MoE sublayer (eval mode: no dropout, no router noise)
    z = _ln(xa, ln2_g, ln2_b).reshape(T, D)
    router_logits = z @ Wr.T
    topk_logits, topk_idx = jax.lax.top_k(router_logits, K)
    topk_w = jax.nn.softmax(topk_logits, axis=-1)
    dense_gate = jax.nn.softmax(router_logits, axis=-1)
    flat_e = topk_idx.reshape(-1)
    counts = jnp.bincount(flat_e, length=E)
    routed = jnp.zeros((T, D), z.dtype)
    for e in range(E):
        w_e = jnp.sum(jnp.where(topk_idx == e, topk_w, 0.0), axis=-1)
        he = jax.nn.gelu(z @ We1[e] + be1[e], approximate=False)
        oe = he @ We2[e] + be2[e]
        routed = routed + oe * w_e[:, None]
    disp = counts.astype(jnp.float32) / max(T * K, 1)
    l_aux = ALPHA * E * jnp.sum(disp * jnp.mean(dense_gate, axis=0))
    cz_lz = CZ * jnp.mean(jax.nn.logsumexp(router_logits, axis=-1) ** 2)
    y = xa + routed.reshape(B, S, D)
    return y, l_aux, cz_lz

if __name__ == "__main__":
    import jax
    _d = setup_inputs()
    print(jax.jit(kernel)(*tuple(_d.values())))

</pallas_src>

<mosaic_0001>
module attributes {stable_mosaic.version = 14 : i64} {
  func.func @_qkv_body(%arg0: i32, %arg1: memref<256x1024xf32, #tpu.memory_space<vmem>>, %arg2: memref<1x1024xf32, #tpu.memory_space<vmem>>, %arg3: memref<1x1024xf32, #tpu.memory_space<vmem>>, %arg4: memref<1024x1024xf32, #tpu.memory_space<vmem>>, %arg5: memref<1x1024xf32, #tpu.memory_space<vmem>>, %arg6: memref<1024x1024xf32, #tpu.memory_space<vmem>>, %arg7: memref<1x1024xf32, #tpu.memory_space<vmem>>, %arg8: memref<1024x1024xf32, #tpu.memory_space<vmem>>, %arg9: memref<1x1024xf32, #tpu.memory_space<vmem>>, %arg10: memref<256x1024xf32, #tpu.memory_space<vmem>>, %arg11: memref<256x1024xf32, #tpu.memory_space<vmem>>, %arg12: memref<256x1024xf32, #tpu.memory_space<vmem>>) attributes {dimension_semantics = [#tpu.dimension_semantics<arbitrary>], iteration_bounds = array<i64: 8>, scalar_prefetch = 0 : i64, scratch_operands = 0 : i64, tpu.core_type = #tpu.core_type<tc>, window_params = [{transform_indices = @transform_0, window_bounds = array<i64: 256, 1024>}, {pipeline_mode = #tpu.pipeline_mode<synchronous>, transform_indices = @transform_1, window_bounds = array<i64: 1, 1024>}, {pipeline_mode = #tpu.pipeline_mode<synchronous>, transform_indices = @transform_2, window_bounds = array<i64: 1, 1024>}, {pipeline_mode = #tpu.pipeline_mode<synchronous>, transform_indices = @transform_3, window_bounds = array<i64: 1024, 1024>}, {pipeline_mode = #tpu.pipeline_mode<synchronous>, transform_indices = @transform_4, window_bounds = array<i64: 1, 1024>}, {pipeline_mode = #tpu.pipeline_mode<synchronous>, transform_indices = @transform_5, window_bounds = array<i64: 1024, 1024>}, {pipeline_mode = #tpu.pipeline_mode<synchronous>, transform_indices = @transform_6, window_bounds = array<i64: 1, 1024>}, {pipeline_mode = #tpu.pipeline_mode<synchronous>, transform_indices = @transform_7, window_bounds = array<i64: 1024, 1024>}, {pipeline_mode = #tpu.pipeline_mode<synchronous>, transform_indices = @transform_8, window_bounds = array<i64: 1, 1024>}, {transform_indices = @transform_9, window_bounds = array<i64: 256, 1024>}, {transform_indices = @transform_10, window_bounds = array<i64: 256, 1024>}, {transform_indices = @transform_11, window_bounds = array<i64: 256, 1024>}]} {
    %get3A = arith.constant 0 : index
    %get3A_0 = arith.constant 0 : index
    %get3A_1 = vector.load %arg1[%get3A, %get3A_0] : memref<256x1024xf32, #tpu.memory_space<vmem>>, vector<256x1024xf32>
    %reduce_sum3A = arith.constant dense<0.000000e+00> : vector<256xf32>
    %reduce_sum3A_2 = vector.multi_reduction <add>, %get3A_1, %reduce_sum3A [1] : vector<256x1024xf32> to vector<256xf32>
    %broadcast_in_dim3A = vector.shape_cast %reduce_sum3A_2 : vector<256xf32> to vector<256x1xf32>
    %div3A = arith.constant 1.024000e+03 : f32
    %div3A_3 = vector.broadcast %div3A : f32 to vector<256x1xf32>
    %div3A_4 = arith.divf %broadcast_in_dim3A, %div3A_3 : vector<256x1xf32>
    %sub3A = vector.broadcast %div3A_4 : vector<256x1xf32> to vector<256x1024xf32>
    %sub3A_5 = arith.subf %get3A_1, %sub3A : vector<256x1024xf32>
    %integer_pow3A = arith.mulf %sub3A_5, %sub3A_5 : vector<256x1024xf32>
    %reduce_sum3A_6 = arith.constant dense<0.000000e+00> : vector<256xf32>
    %reduce_sum3A_7 = vector.multi_reduction <add>, %integer_pow3A, %reduce_sum3A_6 [1] : vector<256x1024xf32> to vector<256xf32>
    %broadcast_in_dim3A_8 = vector.shape_cast %reduce_sum3A_7 : vector<256xf32> to vector<256x1xf32>
    %div3A_9 = arith.constant 1.024000e+03 : f32
    %div3A_10 = vector.broadcast %div3A_9 : f32 to vector<256x1xf32>
    %div3A_11 = arith.divf %broadcast_in_dim3A_8, %div3A_10 : vector<256x1xf32>
    %sub3A_12 = vector.broadcast %div3A_4 : vector<256x1xf32> to vector<256x1024xf32>
    %sub3A_13 = arith.subf %get3A_1, %sub3A_12 : vector<256x1024xf32>
    %add3A = arith.constant 9.99999974E-6 : f32
    %add3A_14 = vector.broadcast %add3A : f32 to vector<256x1xf32>
    %add3A_15 = arith.addf %div3A_11, %add3A_14 : vector<256x1xf32>
    %rsqrt3A = math.rsqrt %add3A_15 : vector<256x1xf32>
    %mul3A = vector.broadcast %rsqrt3A : vector<256x1xf32> to vector<256x1024xf32>
    %mul3A_16 = arith.mulf %sub3A_13, %mul3A : vector<256x1024xf32>
    %get3A_17 = arith.constant 0 : index
    %get3A_18 = arith.constant 0 : index
    %get3A_19 = vector.load %arg2[%get3A_17, %get3A_18] : memref<1x1024xf32, #tpu.memory_space<vmem>>, vector<1x1024xf32>
    %mul3A_20 = vector.broadcast %get3A_19 : vector<1x1024xf32> to vector<256x1024xf32>
    %mul3A_21 = arith.mulf %mul3A_16, %mul3A_20 : vector<256x1024xf32>
    %get3A_22 = arith.constant 0 : index
    %get3A_23 = arith.constant 0 : index
    %get3A_24 = vector.load %arg3[%get3A_22, %get3A_23] : memref<1x1024xf32, #tpu.memory_space<vmem>>, vector<1x1024xf32>
    %add3A_25 = vector.broadcast %get3A_24 : vector<1x1024xf32> to vector<256x1024xf32>
    %add3A_26 = arith.addf %mul3A_21, %add3A_25 : vector<256x1024xf32>
    %get3A_27 = arith.constant 0 : index
    %get3A_28 = arith.constant 0 : index
    %get3A_29 = vector.load %arg4[%get3A_27, %get3A_28] : memref<1024x1024xf32, #tpu.memory_space<vmem>>, vector<1024x1024xf32>
    %dot_general3A = arith.constant dense<0.000000e+00> : vector<256x1024xf32>
    %dot_general3A_30 = tpu.matmul %add3A_26, %get3A_29, %dot_general3A {dimension_numbers = #tpu.dot_dimension_numbers<[1], [0], [0], [1], [0, 0, 1, 1], [], []>, transpose_lhs_hint = false} : vector<256x1024xf32>, vector<1024x1024xf32>, vector<256x1024xf32> -> vector<256x1024xf32>
    %get3A_31 = arith.constant 0 : index
    %get3A_32 = arith.constant 0 : index
    %get3A_33 = vector.load %arg5[%get3A_31, %get3A_32] : memref<1x1024xf32, #tpu.memory_space<vmem>>, vector<1x1024xf32>
    %add3A_34 = vector.broadcast %get3A_33 : vector<1x1024xf32> to vector<256x1024xf32>
    %add3A_35 = arith.addf %dot_general3A_30, %add3A_34 : vector<256x1024xf32>
    %swap3A = arith.constant 0 : index
    %swap3A_36 = arith.constant 0 : index
    %swap3A_37 = vector.load %arg10[%swap3A, %swap3A_36] : memref<256x1024xf32, #tpu.memory_space<vmem>>, vector<256x1024xf32>
    tpu.vector_store %arg10[%swap3A, %swap3A_36], %add3A_35 {strides = array<i32>} : memref<256x1024xf32, #tpu.memory_space<vmem>>, vector<256x1024xf32>,
    %get3A_38 = arith.constant 0 : index
    %get3A_39 = arith.constant 0 : index
    %get3A_40 = vector.load %arg6[%get3A_38, %get3A_39] : memref<1024x1024xf32, #tpu.memory_space<vmem>>, vector<1024x1024xf32>
    %dot_general3A_41 = arith.constant dense<0.000000e+00> : vector<256x1024xf32>
    %dot_general3A_42 = tpu.matmul %add3A_26, %get3A_40, %dot_general3A_41 {dimension_numbers = #tpu.dot_dimension_numbers<[1], [0], [0], [1], [0, 0, 1, 1], [], []>, transpose_lhs_hint = false} : vector<256x1024xf32>, vector<1024x1024xf32>, vector<256x1024xf32> -> vector<256x1024xf32>
    %get3A_43 = arith.constant 0 : index
    %get3A_44 = arith.constant 0 : index
    %get3A_45 = vector.load %arg7[%get3A_43, %get3A_44] : memref<1x1024xf32, #tpu.memory_space<vmem>>, vector<1x1024xf32>
    %add3A_46 = vector.broadcast %get3A_45 : vector<1x1024xf32> to vector<256x1024xf32>
    %add3A_47 = arith.addf %dot_general3A_42, %add3A_46 : vector<256x1024xf32>
    %swap3A_48 = arith.constant 0 : index
    %swap3A_49 = arith.constant 0 : index
    %swap3A_50 = vector.load %arg11[%swap3A_48, %swap3A_49] : memref<256x1024xf32, #tpu.memory_space<vmem>>, vector<256x1024xf32>
    tpu.vector_store %arg11[%swap3A_48, %swap3A_49], %add3A_47 {strides = array<i32>} : memref<256x1024xf32, #tpu.memory_space<vmem>>, vector<256x1024xf32>,
    %get3A_51 = arith.constant 0 : index
    %get3A_52 = arith.constant 0 : index
    %get3A_53 = vector.load %arg8[%get3A_51, %get3A_52] : memref<1024x1024xf32, #tpu.memory_space<vmem>>, vector<1024x1024xf32>
    %dot_general3A_54 = arith.constant dense<0.000000e+00> : vector<256x1024xf32>
    %dot_general3A_55 = tpu.matmul %add3A_26, %get3A_53, %dot_general3A_54 {dimension_numbers = #tpu.dot_dimension_numbers<[1], [0], [0], [1], [0, 0, 1, 1], [], []>, transpose_lhs_hint = false} : vector<256x1024xf32>, vector<1024x1024xf32>, vector<256x1024xf32> -> vector<256x1024xf32>
    %get3A_56 = arith.constant 0 : index
    %get3A_57 = arith.constant 0 : index
    %get3A_58 = vector.load %arg9[%get3A_56, %get3A_57] : memref<1x1024xf32, #tpu.memory_space<vmem>>, vector<1x1024xf32>
    %add3A_59 = vector.broadcast %get3A_58 : vector<1x1024xf32> to vector<256x1024xf32>
    %add3A_60 = arith.addf %dot_general3A_55, %add3A_59 : vector<256x1024xf32>
    %swap3A_61 = arith.constant 0 : index
    %swap3A_62 = arith.constant 0 : index
    %swap3A_63 = vector.load %arg12[%swap3A_61, %swap3A_62] : memref<256x1024xf32, #tpu.memory_space<vmem>>, vector<256x1024xf32>
    tpu.vector_store %arg12[%swap3A_61, %swap3A_62], %add3A_60 {strides = array<i32>} : memref<256x1024xf32, #tpu.memory_space<vmem>>, vector<256x1024xf32>,
    return
  }
  func.func @transform_0(%arg0: i32) -> (i32, i32) {
    %c0_i32 = arith.constant 0 : i32
    %c0_i32_0 = arith.constant 0 : i32
    return %arg0, %c0_i32 : i32, i32
  }
  func.func @transform_1(%arg0: i32) -> (i32, i32) {
    %c0_i32 = arith.constant 0 : i32
    %c0_i32_0 = arith.constant 0 : i32
    %c0_i32_1 = arith.constant 0 : i32
    return %c0_i32, %c0_i32_0 : i32, i32
  }
  func.func @transform_2(%arg0: i32) -> (i32, i32) {
    %c0_i32 = arith.constant 0 : i32
    %c0_i32_0 = arith.constant 0 : i32
    %c0_i32_1 = arith.constant 0 : i32
    return %c0_i32, %c0_i32_0 : i32, i32
  }
  func.func @transform_3(%arg0: i32) -> (i32, i32) {
    %c0_i32 = arith.constant 0 : i32
    %c0_i32_0 = arith.constant 0 : i32
    %c0_i32_1 = arith.constant 0 : i32
    return %c0_i32, %c0_i32_0 : i32, i32
  }
  func.func @transform_4(%arg0: i32) -> (i32, i32) {
    %c0_i32 = arith.constant 0 : i32
    %c0_i32_0 = arith.constant 0 : i32
    %c0_i32_1 = arith.constant 0 : i32
    return %c0_i32, %c0_i32_0 : i32, i32
  }
  func.func @transform_5(%arg0: i32) -> (i32, i32) {
    %c0_i32 = arith.constant 0 : i32
    %c0_i32_0 = arith.constant 0 : i32
    %c0_i32_1 = arith.constant 0 : i32
    return %c0_i32, %c0_i32_0 : i32, i32
  }
  func.func @transform_6(%arg0: i32) -> (i32, i32) {
    %c0_i32 = arith.constant 0 : i32
    %c0_i32_0 = arith.constant 0 : i32
    %c0_i32_1 = arith.constant 0 : i32
    return %c0_i32, %c0_i32_0 : i32, i32
  }
  func.func @transform_7(%arg0: i32) -> (i32, i32) {
    %c0_i32 = arith.constant 0 : i32
    %c0_i32_0 = arith.constant 0 : i32
    %c0_i32_1 = arith.constant 0 : i32
    return %c0_i32, %c0_i32_0 : i32, i32
  }
  func.func @transform_8(%arg0: i32) -> (i32, i32) {
    %c0_i32 = arith.constant 0 : i32
    %c0_i32_0 = arith.constant 0 : i32
    %c0_i32_1 = arith.constant 0 : i32
    return %c0_i32, %c0_i32_0 : i32, i32
  }
  func.func @transform_9(%arg0: i32) -> (i32, i32) {
    %c0_i32 = arith.constant 0 : i32
    %c0_i32_0 = arith.constant 0 : i32
    return %arg0, %c0_i32 : i32, i32
  }
  func.func @transform_10(%arg0: i32) -> (i32, i32) {
    %c0_i32 = arith.constant 0 : i32
    %c0_i32_0 = arith.constant 0 : i32
    return %arg0, %c0_i32 : i32, i32
  }
  func.func @transform_11(%arg0: i32) -> (i32, i32) {
    %c0_i32 = arith.constant 0 : i32
    %c0_i32_0 = arith.constant 0 : i32
    return %arg0, %c0_i32 : i32, i32
  }
}

module attributes {stable_mosaic.version = 14 : i64} {
  func.func @_attn_body(%arg0: i32, %arg1: memref<1x2048x64xf32, #tpu.memory_space<vmem>>, %arg2: memref<1x2048x64xf32, #tpu.memory_space<vmem>>, %arg3: memref<1x2048x64xf32, #tpu.memory_space<vmem>>, %arg4: memref<1x2048x64xf32, #tpu.memory_space<vmem>>) attributes {dimension_semantics = [#tpu.dimension_semantics<arbitrary>], iteration_bounds = array<i64: 16>, scalar_prefetch = 0 : i64, scratch_operands = 0 : i64, tpu.core_type = #tpu.core_type<tc>, window_params = [{transform_indices = @transform_0, window_bounds = array<i64: 1, 2048, 64>}, {transform_indices = @transform_1, window_bounds = array<i64: 1, 2048, 64>}, {transform_indices = @transform_2, window_bounds = array<i64: 1, 2048, 64>}, {transform_indices = @transform_3, window_bounds = array<i64: 1, 2048, 64>}]} {
    %get3A = arith.constant 0 : index
    %get3A_0 = arith.constant 0 : index
    %get3A_1 = arith.constant 0 : index
    %get3A_2 = vector.load %arg1[%get3A, %get3A_0, %get3A_1] : memref<1x2048x64xf32, #tpu.memory_space<vmem>>, vector<1x2048x64xf32>
    %get3A_3 = vector.shape_cast %get3A_2 : vector<1x2048x64xf32> to vector<2048x64xf32>
    %get3A_4 = arith.constant 0 : index
    %get3A_5 = arith.constant 0 : index
    %get3A_6 = arith.constant 0 : index
    %get3A_7 = vector.load %arg2[%get3A_4, %get3A_5, %get3A_6] : memref<1x2048x64xf32, #tpu.memory_space<vmem>>, vector<1x2048x64xf32>
    %get3A_8 = vector.shape_cast %get3A_7 : vector<1x2048x64xf32> to vector<2048x64xf32>
    %get3A_9 = arith.constant 0 : index
    %get3A_10 = arith.constant 0 : index
    %get3A_11 = arith.constant 0 : index
    %get3A_12 = vector.load %arg3[%get3A_9, %get3A_10, %get3A_11] : memref<1x2048x64xf32, #tpu.memory_space<vmem>>, vector<1x2048x64xf32>
    %get3A_13 = vector.shape_cast %get3A_12 : vector<1x2048x64xf32> to vector<2048x64xf32>
    %dot_general3A = arith.constant dense<0.000000e+00> : vector<2048x2048xf32>
    %dot_general3A_14 = tpu.matmul %get3A_3, %get3A_8, %dot_general3A {dimension_numbers = #tpu.dot_dimension_numbers<[1], [1], [0], [0], [0, 0, 1, 0], [], []>, transpose_lhs_hint = false} : vector<2048x64xf32>, vector<2048x64xf32>, vector<2048x2048xf32> -> vector<2048x2048xf32>
    %mul3A = arith.constant 1.250000e-01 : f32
    %mul3A_15 = vector.broadcast %mul3A : f32 to vector<2048x2048xf32>
    %mul3A_16 = arith.mulf %dot_general3A_14, %mul3A_15 : vector<2048x2048xf32>
    %reduce_max3A = arith.constant dense<0xFF800000> : vector<2048xf32>
    %reduce_max3A_17 = vector.multi_reduction <maximumf>, %mul3A_16, %reduce_max3A [1] : vector<2048x2048xf32> to vector<2048xf32>
    %broadcast_in_dim3A = vector.shape_cast %reduce_max3A_17 : vector<2048xf32> to vector<2048x1xf32>
    %sub3A = vector.broadcast %broadcast_in_dim3A : vector<2048x1xf32> to vector<2048x2048xf32>
    %sub3A_18 = arith.subf %mul3A_16, %sub3A : vector<2048x2048xf32>
    %exp3A = math.exp %sub3A_18 : vector<2048x2048xf32>
    %reduce_sum3A = arith.constant dense<0.000000e+00> : vector<2048xf32>
    %reduce_sum3A_19 = vector.multi_reduction <add>, %exp3A, %reduce_sum3A [1] : vector<2048x2048xf32> to vector<2048xf32>
    %broadcast_in_dim3A_20 = vector.shape_cast %reduce_sum3A_19 : vector<2048xf32> to vector<2048x1xf32>
    %div3A = vector.broadcast %broadcast_in_dim3A_20 : vector<2048x1xf32> to vector<2048x2048xf32>
    %div3A_21 = arith.divf %exp3A, %div3A : vector<2048x2048xf32>
    %dot_general3A_22 = arith.constant dense<0.000000e+00> : vector<2048x64xf32>
    %dot_general3A_23 = tpu.matmul %div3A_21, %get3A_13, %dot_general3A_22 {dimension_numbers = #tpu.dot_dimension_numbers<[1], [0], [0], [1], [0, 0, 1, 1], [], []>, transpose_lhs_hint = false} : vector<2048x2048xf32>, vector<2048x64xf32>, vector<2048x64xf32> -> vector<2048x64xf32>
    %swap3A = arith.constant 0 : index
    %swap3A_24 = arith.constant 0 : index
    %swap3A_25 = arith.constant 0 : index
    %swap3A_26 = vector.load %arg4[%swap3A, %swap3A_24, %swap3A_25] : memref<1x2048x64xf32, #tpu.memory_space<vmem>>, vector<1x2048x64xf32>
    %swap3A_27 = vector.shape_cast %swap3A_26 : vector<1x2048x64xf32> to vector<2048x64xf32>
    %swap3A_28 = vector.shape_cast %dot_general3A_23 : vector<2048x64xf32> to vector<1x2048x64xf32>
    tpu.vector_store %arg4[%swap3A, %swap3A_24, %swap3A_25], %swap3A_28 {strides = array<i32>} : memref<1x2048x64xf32, #tpu.memory_space<vmem>>, vector<1x2048x64xf32>,
    return
  }
  func.func @transform_0(%arg0: i32) -> (i32, i32, i32) {
    %c0_i32 = arith.constant 0 : i32
    %c0_i32_0 = arith.constant 0 : i32
    %c0_i32_1 = arith.constant 0 : i32
    return %arg0, %c0_i32, %c0_i32_0 : i32, i32, i32
  }
  func.func @transform_1(%arg0: i32) -> (i32, i32, i32) {
    %c0_i32 = arith.constant 0 : i32
    %c0_i32_0 = arith.constant 0 : i32
    %c0_i32_1 = arith.constant 0 : i32
    return %arg0, %c0_i32, %c0_i32_0 : i32, i32, i32
  }
  func.func @transform_2(%arg0: i32) -> (i32, i32, i32) {
    %c0_i32 = arith.constant 0 : i32
    %c0_i32_0 = arith.constant 0 : i32
    %c0_i32_1 = arith.constant 0 : i32
    return %arg0, %c0_i32, %c0_i32_0 : i32, i32, i32
  }
  func.func @transform_3(%arg0: i32) -> (i32, i32, i32) {
    %c0_i32 = arith.constant 0 : i32
    %c0_i32_0 = arith.constant 0 : i32
    %c0_i32_1 = arith.constant 0 : i32
    return %arg0, %c0_i32, %c0_i32_0 : i32, i32, i32
  }
}

module attributes {stable_mosaic.version = 14 : i64} {
  func.func @_post_body(%arg0: i32, %arg1: memref<256x1024xf32, #tpu.memory_space<vmem>>, %arg2: memref<256x1024xf32, #tpu.memory_space<vmem>>, %arg3: memref<1024x1024xf32, #tpu.memory_space<vmem>>, %arg4: memref<1x1024xf32, #tpu.memory_space<vmem>>, %arg5: memref<1x1024xf32, #tpu.memory_space<vmem>>, %arg6: memref<1x1024xf32, #tpu.memory_space<vmem>>, %arg7: memref<1024x128xf32, #tpu.memory_space<vmem>>, %arg8: memref<256x1024xf32, #tpu.memory_space<vmem>>, %arg9: memref<256x1024xf32, #tpu.memory_space<vmem>>, %arg10: memref<256x128xi32, #tpu.memory_space<vmem>>, %arg11: memref<256x128xi32, #tpu.memory_space<vmem>>, %arg12: memref<256x128xf32, #tpu.memory_space<vmem>>, %arg13: memref<256x128xf32, #tpu.memory_space<vmem>>, %arg14: memref<8x128xf32, #tpu.memory_space<vmem>>, %arg15: memref<8x128xf32, #tpu.memory_space<vmem>>, %arg16: memref<8x128xf32, #tpu.memory_space<vmem>>, %arg17: memref<8x128xf32, #tpu.memory_space<vmem>>) attributes {dimension_semantics = [#tpu.dimension_semantics<arbitrary>], iteration_bounds = array<i64: 8>, scalar_prefetch = 0 : i64, scratch_operands = 2 : i64, tpu.core_type = #tpu.core_type<tc>, window_params = [{transform_indices = @transform_0, window_bounds = array<i64: 256, 1024>}, {transform_indices = @transform_1, window_bounds = array<i64: 256, 1024>}, {pipeline_mode = #tpu.pipeline_mode<synchronous>, transform_indices = @transform_2, window_bounds = array<i64: 1024, 1024>}, {pipeline_mode = #tpu.pipeline_mode<synchronous>, transform_indices = @transform_3, window_bounds = array<i64: 1, 1024>}, {pipeline_mode = #tpu.pipeline_mode<synchronous>, transform_indices = @transform_4, window_bounds = array<i64: 1, 1024>}, {pipeline_mode = #tpu.pipeline_mode<synchronous>, transform_indices = @transform_5, window_bounds = array<i64: 1, 1024>}, {pipeline_mode = #tpu.pipeline_mode<synchronous>, transform_indices = @transform_6, window_bounds = array<i64: 1024, 128>}, {transform_indices = @transform_7, window_bounds = array<i64: 256, 1024>}, {transform_indices = @transform_8, window_bounds = array<i64: 256, 1024>}, {transform_indices = @transform_9, window_bounds = array<i64: 256, 128>}, {transform_indices = @transform_10, window_bounds = array<i64: 256, 128>}, {transform_indices = @transform_11, window_bounds = array<i64: 256, 128>}, {transform_indices = @transform_12, window_bounds = array<i64: 256, 128>}, {pipeline_mode = #tpu.pipeline_mode<synchronous>, transform_indices = @transform_13, window_bounds = array<i64: 8, 128>}, {pipeline_mode = #tpu.pipeline_mode<synchronous>, transform_indices = @transform_14, window_bounds = array<i64: 8, 128>}]} {
    %eq3A = arith.constant 0 : i32
    %eq3A_0 = arith.cmpi eq, %arg0, %eq3A : i32
    %convert_element_type3A = arith.extui %eq3A_0 : i1 to i32
    %cond3A = arith.constant 0 : i32
    %cond3A_1 = arith.cmpi ne, %convert_element_type3A, %cond3A : i32
    scf.if %cond3A_1 {
      %broadcast_in_dim3A_152 = arith.constant 0.000000e+00 : f32
      %broadcast_in_dim3A_153 = vector.broadcast %broadcast_in_dim3A_152 : f32 to vector<8x128xf32>
      %swap3A_154 = arith.constant 0 : index
      %swap3A_155 = arith.constant 0 : index
      %swap3A_156 = vector.load %arg16[%swap3A_154, %swap3A_155] : memref<8x128xf32, #tpu.memory_space<vmem>>, vector<8x128xf32>
      tpu.vector_store %arg16[%swap3A_154, %swap3A_155], %broadcast_in_dim3A_153 {strides = array<i32>} : memref<8x128xf32, #tpu.memory_space<vmem>>, vector<8x128xf32>,
      %broadcast_in_dim3A_157 = arith.constant 0.000000e+00 : f32
      %broadcast_in_dim3A_158 = vector.broadcast %broadcast_in_dim3A_157 : f32 to vector<8x128xf32>
      %swap3A_159 = arith.constant 0 : index
      %swap3A_160 = arith.constant 0 : index
      %swap3A_161 = vector.load %arg17[%swap3A_159, %swap3A_160] : memref<8x128xf32, #tpu.memory_space<vmem>>, vector<8x128xf32>
      tpu.vector_store %arg17[%swap3A_159, %swap3A_160], %broadcast_in_dim3A_158 {strides = array<i32>} : memref<8x128xf32, #tpu.memory_space<vmem>>, vector<8x128xf32>,
    } else {
    }
    %get3A = arith.constant 0 : index
    %get3A_2 = arith.constant 0 : index
    %get3A_3 = vector.load %arg2[%get3A, %get3A_2] : memref<256x1024xf32, #tpu.memory_space<vmem>>, vector<256x1024xf32>
    %get3A_4 = arith.constant 0 : index
    %get3A_5 = arith.constant 0 : index
    %get3A_6 = vector.load %arg1[%get3A_4, %get3A_5] : memref<256x1024xf32, #tpu.memory_space<vmem>>, vector<256x1024xf32>
    %get3A_7 = arith.constant 0 : index
    %get3A_8 = arith.constant 0 : index
    %get3A_9 = vector.load %arg3[%get3A_7, %get3A_8] : memref<1024x1024xf32, #tpu.memory_space<vmem>>, vector<1024x1024xf32>
    %dot_general3A = arith.constant dense<0.000000e+00> : vector<256x1024xf32>
    %dot_general3A_10 = tpu.matmul %get3A_6, %get3A_9, %dot_general3A {dimension_numbers = #tpu.dot_dimension_numbers<[1], [0], [0], [1], [0, 0, 1, 1], [], []>, transpose_lhs_hint = false} : vector<256x1024xf32>, vector<1024x1024xf32>, vector<256x1024xf32> -> vector<256x1024xf32>
    %add3A = arith.addf %get3A_3, %dot_general3A_10 : vector<256x1024xf32>
    %get3A_11 = arith.constant 0 : index
    %get3A_12 = arith.constant 0 : index
    %get3A_13 = vector.load %arg4[%get3A_11, %get3A_12] : memref<1x1024xf32, #tpu.memory_space<vmem>>, vector<1x1024xf32>
    %add3A_14 = vector.broadcast %get3A_13 : vector<1x1024xf32> to vector<256x1024xf32>
    %add3A_15 = arith.addf %add3A, %add3A_14 : vector<256x1024xf32>
    %swap3A = arith.constant 0 : index
    %swap3A_16 = arith.constant 0 : index
    %swap3A_17 = vector.load %arg8[%swap3A, %swap3A_16] : memref<256x1024xf32, #tpu.memory_space<vmem>>, vector<256x1024xf32>
    tpu.vector_store %arg8[%swap3A, %swap3A_16], %add3A_15 {strides = array<i32>} : memref<256x1024xf32, #tpu.memory_space<vmem>>, vector<256x1024xf32>,
    %reduce_sum3A = arith.constant dense<0.000000e+00> : vector<256xf32>
    %reduce_sum3A_18 = vector.multi_reduction <add>, %add3A_15, %reduce_sum3A [1] : vector<256x1024xf32> to vector<256xf32>
    %broadcast_in_dim3A = vector.shape_cast %reduce_sum3A_18 : vector<256xf32> to vector<256x1xf32>
    %div3A = arith.constant 1.024000e+03 : f32
    %div3A_19 = vector.broadcast %div3A : f32 to vector<256x1xf32>
    %div3A_20 = arith.divf %broadcast_in_dim3A, %div3A_19 : vector<256x1xf32>
    %sub3A = vector.broadcast %div3A_20 : vector<256x1xf32> to vector<256x1024xf32>
    %sub3A_21 = arith.subf %add3A_15, %sub3A : vector<256x1024xf32>
    %integer_pow3A = arith.mulf %sub3A_21, %sub3A_21 : vector<256x1024xf32>
    %reduce_sum3A_22 = arith.constant dense<0.000000e+00> : vector<256xf32>
    %reduce_sum3A_23 = vector.multi_reduction <add>, %integer_pow3A, %reduce_sum3A_22 [1] : vector<256x1024xf32> to vector<256xf32>
    %broadcast_in_dim3A_24 = vector.shape_cast %reduce_sum3A_23 : vector<256xf32> to vector<256x1xf32>
    %div3A_25 = arith.constant 1.024000e+03 : f32
    %div3A_26 = vector.broadcast %div3A_25 : f32 to vector<256x1xf32>
    %div3A_27 = arith.divf %broadcast_in_dim3A_24, %div3A_26 : vector<256x1xf32>
    %sub3A_28 = vector.broadcast %div3A_20 : vector<256x1xf32> to vector<256x1024xf32>
    %sub3A_29 = arith.subf %add3A_15, %sub3A_28 : vector<256x1024xf32>
    %add3A_30 = arith.constant 9.99999974E-6 : f32
    %add3A_31 = vector.broadcast %add3A_30 : f32 to vector<256x1xf32>
    %add3A_32 = arith.addf %div3A_27, %add3A_31 : vector<256x1xf32>
    %rsqrt3A = math.rsqrt %add3A_32 : vector<256x1xf32>
    %mul3A = vector.broadcast %rsqrt3A : vector<256x1xf32> to vector<256x1024xf32>
    %mul3A_33 = arith.mulf %sub3A_29, %mul3A : vector<256x1024xf32>
    %get3A_34 = arith.constant 0 : index
    %get3A_35 = arith.constant 0 : index
    %get3A_36 = vector.load %arg5[%get3A_34, %get3A_35] : memref<1x1024xf32, #tpu.memory_space<vmem>>, vector<1x1024xf32>
    %mul3A_37 = vector.broadcast %get3A_36 : vector<1x1024xf32> to vector<256x1024xf32>
    %mul3A_38 = arith.mulf %mul3A_33, %mul3A_37 : vector<256x1024xf32>
    %get3A_39 = arith.constant 0 : index
    %get3A_40 = arith.constant 0 : index
    %get3A_41 = vector.load %arg6[%get3A_39, %get3A_40] : memref<1x1024xf32, #tpu.memory_space<vmem>>, vector<1x1024xf32>
    %add3A_42 = vector.broadcast %get3A_41 : vector<1x1024xf32> to vector<256x1024xf32>
    %add3A_43 = arith.addf %mul3A_38, %add3A_42 : vector<256x1024xf32>
    %swap3A_44 = arith.constant 0 : index
    %swap3A_45 = arith.constant 0 : index
    %swap3A_46 = vector.load %arg9[%swap3A_44, %swap3A_45] : memref<256x1024xf32, #tpu.memory_space<vmem>>, vector<256x1024xf32>
    tpu.vector_store %arg9[%swap3A_44, %swap3A_45], %add3A_43 {strides = array<i32>} : memref<256x1024xf32, #tpu.memory_space<vmem>>, vector<256x1024xf32>,
    %get3A_47 = arith.constant 0 : index
    %get3A_48 = arith.constant 0 : index
    %get3A_49 = vector.load %arg7[%get3A_47, %get3A_48] : memref<1024x128xf32, #tpu.memory_space<vmem>>, vector<1024x128xf32>
    %dot_general3A_50 = arith.constant dense<0.000000e+00> : vector<256x128xf32>
    %dot_general3A_51 = tpu.matmul %add3A_43, %get3A_49, %dot_general3A_50 {dimension_numbers = #tpu.dot_dimension_numbers<[1], [0], [0], [1], [0, 0, 1, 1], [], []>, transpose_lhs_hint = false} : vector<256x1024xf32>, vector<1024x128xf32>, vector<256x128xf32> -> vector<256x128xf32>
    %iota3A = tpu.iota {dimensions = array<i32: 1>} : vector<256x128xi32>
    %lt3A = arith.constant 8 : i32
    %lt3A_52 = vector.broadcast %lt3A : i32 to vector<256x128xi32>
    %lt3A_53 = arith.cmpi slt, %iota3A, %lt3A_52 : vector<256x128xi32>
    %jit3A = arith.constant -1.000000e+30 : f32
    %broadcast_in_dim3A_54 = vector.broadcast %jit3A : f32 to vector<256x128xf32>
    %select_n3A = arith.select %lt3A_53, %dot_general3A_51, %broadcast_in_dim3A_54 : vector<256x128xi1>, vector<256x128xf32>
    %reduce_max3A = arith.constant dense<0xFF800000> : vector<256xf32>
    %reduce_max3A_55 = vector.multi_reduction <maximumf>, %select_n3A, %reduce_max3A [1] : vector<256x128xf32> to vector<256xf32>
    %broadcast_in_dim3A_56 = vector.shape_cast %reduce_max3A_55 : vector<256xf32> to vector<256x1xf32>
    %eq3A_57 = vector.broadcast %broadcast_in_dim3A_56 : vector<256x1xf32> to vector<256x128xf32>
    %eq3A_58 = arith.cmpf oeq, %select_n3A, %eq3A_57 : vector<256x128xf32>
    %jit3A_59 = arith.constant 127 : i32
    %broadcast_in_dim3A_60 = vector.broadcast %jit3A_59 : i32 to vector<256x128xi32>
    %select_n3A_61 = arith.select %eq3A_58, %iota3A, %broadcast_in_dim3A_60 : vector<256x128xi1>, vector<256x128xi32>
    %reduce_min3A = arith.constant dense<2147483647> : vector<256xi32>
    %reduce_min3A_62 = vector.multi_reduction <minsi>, %select_n3A_61, %reduce_min3A [1] : vector<256x128xi32> to vector<256xi32>
    %broadcast_in_dim3A_63 = vector.shape_cast %reduce_min3A_62 : vector<256xi32> to vector<256x1xi32>
    %eq3A_64 = vector.broadcast %broadcast_in_dim3A_63 : vector<256x1xi32> to vector<256x128xi32>
    %eq3A_65 = arith.cmpi eq, %iota3A, %eq3A_64 : vector<256x128xi32>
    %jit3A_66 = arith.constant -1.000000e+30 : f32
    %broadcast_in_dim3A_67 = vector.broadcast %jit3A_66 : f32 to vector<256x128xf32>
    %select_n3A_68 = arith.select %eq3A_65, %broadcast_in_dim3A_67, %select_n3A : vector<256x128xi1>, vector<256x128xf32>
    %reduce_max3A_69 = arith.constant dense<0xFF800000> : vector<256xf32>
    %reduce_max3A_70 = vector.multi_reduction <maximumf>, %select_n3A_68, %reduce_max3A_69 [1] : vector<256x128xf32> to vector<256xf32>
    %broadcast_in_dim3A_71 = vector.shape_cast %reduce_max3A_70 : vector<256xf32> to vector<256x1xf32>
    %eq3A_72 = vector.broadcast %broadcast_in_dim3A_71 : vector<256x1xf32> to vector<256x128xf32>
    %eq3A_73 = arith.cmpf oeq, %select_n3A_68, %eq3A_72 : vector<256x128xf32>
    %jit3A_74 = arith.constant 127 : i32
    %broadcast_in_dim3A_75 = vector.broadcast %jit3A_74 : i32 to vector<256x128xi32>
    %select_n3A_76 = arith.select %eq3A_73, %iota3A, %broadcast_in_dim3A_75 : vector<256x128xi1>, vector<256x128xi32>
    %reduce_min3A_77 = arith.constant dense<2147483647> : vector<256xi32>
    %reduce_min3A_78 = vector.multi_reduction <minsi>, %select_n3A_76, %reduce_min3A_77 [1] : vector<256x128xi32> to vector<256xi32>
    %broadcast_in_dim3A_79 = vector.shape_cast %reduce_min3A_78 : vector<256xi32> to vector<256x1xi32>
    %sub3A_80 = arith.subf %broadcast_in_dim3A_71, %broadcast_in_dim3A_56 : vector<256x1xf32>
    %exp3A = math.exp %sub3A_80 : vector<256x1xf32>
    %add3A_81 = arith.constant 1.000000e+00 : f32
    %add3A_82 = vector.broadcast %add3A_81 : f32 to vector<256x1xf32>
    %add3A_83 = arith.addf %add3A_82, %exp3A : vector<256x1xf32>
    %div3A_84 = arith.constant 1.000000e+00 : f32
    %div3A_85 = vector.broadcast %div3A_84 : f32 to vector<256x1xf32>
    %div3A_86 = arith.divf %div3A_85, %add3A_83 : vector<256x1xf32>
    %add3A_87 = arith.constant 1.000000e+00 : f32
    %add3A_88 = vector.broadcast %add3A_87 : f32 to vector<256x1xf32>
    %add3A_89 = arith.addf %add3A_88, %exp3A : vector<256x1xf32>
    %div3A_90 = arith.divf %exp3A, %add3A_89 : vector<256x1xf32>
    %broadcast_in_dim3A_91 = vector.shape_cast %broadcast_in_dim3A_63 : vector<256x1xi32> to vector<256x1xi32>
    %broadcast_in_dim3A_92 = vector.broadcast %broadcast_in_dim3A_91 : vector<256x1xi32> to vector<256x128xi32>
    %swap3A_93 = arith.constant 0 : index
    %swap3A_94 = arith.constant 0 : index
    %swap3A_95 = vector.load %arg10[%swap3A_93, %swap3A_94] : memref<256x128xi32, #tpu.memory_space<vmem>>, vector<256x128xi32>
    tpu.vector_store %arg10[%swap3A_93, %swap3A_94], %broadcast_in_dim3A_92 {strides = array<i32>} : memref<256x128xi32, #tpu.memory_space<vmem>>, vector<256x128xi32>,
    %broadcast_in_dim3A_96 = vector.shape_cast %broadcast_in_dim3A_79 : vector<256x1xi32> to vector<256x1xi32>
    %broadcast_in_dim3A_97 = vector.broadcast %broadcast_in_dim3A_96 : vector<256x1xi32> to vector<256x128xi32>
    %swap3A_98 = arith.constant 0 : index
    %swap3A_99 = arith.constant 0 : index
    %swap3A_100 = vector.load %arg11[%swap3A_98, %swap3A_99] : memref<256x128xi32, #tpu.memory_space<vmem>>, vector<256x128xi32>
    tpu.vector_store %arg11[%swap3A_98, %swap3A_99], %broadcast_in_dim3A_97 {strides = array<i32>} : memref<256x128xi32, #tpu.memory_space<vmem>>, vector<256x128xi32>,
    %broadcast_in_dim3A_101 = vector.shape_cast %div3A_86 : vector<256x1xf32> to vector<256x1xf32>
    %broadcast_in_dim3A_102 = vector.broadcast %broadcast_in_dim3A_101 : vector<256x1xf32> to vector<256x128xf32>
    %swap3A_103 = arith.constant 0 : index
    %swap3A_104 = arith.constant 0 : index
    %swap3A_105 = vector.load %arg12[%swap3A_103, %swap3A_104] : memref<256x128xf32, #tpu.memory_space<vmem>>, vector<256x128xf32>
    tpu.vector_store %arg12[%swap3A_103, %swap3A_104], %broadcast_in_dim3A_102 {strides = array<i32>} : memref<256x128xf32, #tpu.memory_space<vmem>>, vector<256x128xf32>,
    %broadcast_in_dim3A_106 = vector.shape_cast %div3A_90 : vector<256x1xf32> to vector<256x1xf32>
    %broadcast_in_dim3A_107 = vector.broadcast %broadcast_in_dim3A_106 : vector<256x1xf32> to vector<256x128xf32>
    %swap3A_108 = arith.constant 0 : index
    %swap3A_109 = arith.constant 0 : index
    %swap3A_110 = vector.load %arg13[%swap3A_108, %swap3A_109] : memref<256x128xf32, #tpu.memory_space<vmem>>, vector<256x128xf32>
    tpu.vector_store %arg13[%swap3A_108, %swap3A_109], %broadcast_in_dim3A_107 {strides = array<i32>} : memref<256x128xf32, #tpu.memory_space<vmem>>, vector<256x128xf32>,
    %lt3A_111 = arith.constant 8 : i32
    %lt3A_112 = vector.broadcast %lt3A_111 : i32 to vector<256x128xi32>
    %lt3A_113 = arith.cmpi slt, %iota3A, %lt3A_112 : vector<256x128xi32>
    %sub3A_114 = vector.broadcast %broadcast_in_dim3A_56 : vector<256x1xf32> to vector<256x128xf32>
    %sub3A_115 = arith.subf %select_n3A, %sub3A_114 : vector<256x128xf32>
    %exp3A_116 = math.exp %sub3A_115 : vector<256x128xf32>
    %jit3A_117 = arith.constant 0.000000e+00 : f32
    %broadcast_in_dim3A_118 = vector.broadcast %jit3A_117 : f32 to vector<256x128xf32>
    %select_n3A_119 = arith.select %lt3A_113, %exp3A_116, %broadcast_in_dim3A_118 : vector<256x128xi1>, vector<256x128xf32>
    %reduce_sum3A_120 = arith.constant dense<0.000000e+00> : vector<256xf32>
    %reduce_sum3A_121 = vector.multi_reduction <add>, %select_n3A_119, %reduce_sum3A_120 [1] : vector<256x128xf32> to vector<256xf32>
    %broadcast_in_dim3A_122 = vector.shape_cast %reduce_sum3A_121 : vector<256xf32> to vector<256x1xf32>
    %get3A_123 = arith.constant 0 : index
    %get3A_124 = arith.constant 0 : index
    %get3A_125 = vector.load %arg16[%get3A_123, %get3A_124] : memref<8x128xf32, #tpu.memory_space<vmem>>, vector<1x128xf32>
    %div3A_126 = vector.broadcast %broadcast_in_dim3A_122 : vector<256x1xf32> to vector<256x128xf32>
    %div3A_127 = arith.divf %select_n3A_119, %div3A_126 : vector<256x128xf32>
    %reduce_sum3A_128 = arith.constant dense<0.000000e+00> : vector<128xf32>
    %reduce_sum3A_129 = vector.multi_reduction <add>, %div3A_127, %reduce_sum3A_128 [0] : vector<256x128xf32> to vector<128xf32>
    %broadcast_in_dim3A_130 = vector.shape_cast %reduce_sum3A_129 : vector<128xf32> to vector<1x128xf32>
    %add3A_131 = arith.addf %get3A_125, %broadcast_in_dim3A_130 : vector<1x128xf32>
    %swap3A_132 = arith.constant 0 : index
    %swap3A_133 = arith.constant 0 : index
    %swap3A_134 = vector.load %arg16[%swap3A_132, %swap3A_133] : memref<8x128xf32, #tpu.memory_space<vmem>>, vector<1x128xf32>
    tpu.vector_store %arg16[%swap3A_132, %swap3A_133], %add3A_131 {strides = array<i32>} : memref<8x128xf32, #tpu.memory_space<vmem>>, vector<1x128xf32>,
    %log3A = math.log %broadcast_in_dim3A_122 : vector<256x1xf32>
    %add3A_135 = arith.addf %broadcast_in_dim3A_56, %log3A : vector<256x1xf32>
    %get3A_136 = arith.constant 0 : index
    %get3A_137 = arith.constant 0 : index
    %get3A_138 = vector.load %arg17[%get3A_136, %get3A_137] : memref<8x128xf32, #tpu.memory_space<vmem>>, vector<1x1xf32>
    %mul3A_139 = arith.mulf %add3A_135, %add3A_135 : vector<256x1xf32>
    %reduce_sum3A_140 = arith.constant dense<0.000000e+00> : vector<1xf32>
    %reduce_sum3A_141 = vector.multi_reduction <add>, %mul3A_139, %reduce_sum3A_140 [0] : vector<256x1xf32> to vector<1xf32>
    %broadcast_in_dim3A_142 = vector.shape_cast %reduce_sum3A_141 : vector<1xf32> to vector<1x1xf32>
    %add3A_143 = arith.addf %get3A_138, %broadcast_in_dim3A_142 : vector<1x1xf32>
    %swap3A_144 = arith.constant 0 : index
    %swap3A_145 = arith.constant 0 : index
    %swap3A_146 = vector.load %arg17[%swap3A_144, %swap3A_145] : memref<8x128xf32, #tpu.memory_space<vmem>>, vector<1x1xf32>
    tpu.vector_store %arg17[%swap3A_144, %swap3A_145], %add3A_143 {strides = array<i32>} : memref<8x128xf32, #tpu.memory_space<vmem>>, vector<1x1xf32>,
    %eq3A_147 = arith.constant 7 : i32
    %eq3A_148 = arith.cmpi eq, %arg0, %eq3A_147 : i32
    %convert_element_type3A_149 = arith.extui %eq3A_148 : i1 to i32
    %cond3A_150 = arith.constant 0 : i32
    %cond3A_151 = arith.cmpi ne, %convert_element_type3A_149, %cond3A_150 : i32
    scf.if %cond3A_151 {
      %get3A_152 = arith.constant 0 : index
      %get3A_153 = arith.constant 0 : index
      %get3A_154 = vector.load %arg16[%get3A_152, %get3A_153] : memref<8x128xf32, #tpu.memory_space<vmem>>, vector<8x128xf32>
      %swap3A_155 = arith.constant 0 : index
      %swap3A_156 = arith.constant 0 : index
      %swap3A_157 = vector.load %arg14[%swap3A_155, %swap3A_156] : memref<8x128xf32, #tpu.memory_space<vmem>>, vector<8x128xf32>
      tpu.vector_store %arg14[%swap3A_155, %swap3A_156], %get3A_154 {strides = array<i32>} : memref<8x128xf32, #tpu.memory_space<vmem>>, vector<8x128xf32>,
      %get3A_158 = arith.constant 0 : index
      %get3A_159 = arith.constant 0 : index
      %get3A_160 = vector.load %arg17[%get3A_158, %get3A_159] : memref<8x128xf32, #tpu.memory_space<vmem>>, vector<8x128xf32>
      %swap3A_161 = arith.constant 0 : index
      %swap3A_162 = arith.constant 0 : index
      %swap3A_163 = vector.load %arg15[%swap3A_161, %swap3A_162] : memref<8x128xf32, #tpu.memory_space<vmem>>, vector<8x128xf32>
      tpu.vector_store %arg15[%swap3A_161, %swap3A_162], %get3A_160 {strides = array<i32>} : memref<8x128xf32, #tpu.memory_space<vmem>>, vector<8x128xf32>,
    } else {
    }
    return
  }
  func.func @transform_0(%arg0: i32) -> (i32, i32) {
    %c0_i32 = arith.constant 0 : i32
    %c0_i32_0 = arith.constant 0 : i32
    return %arg0, %c0_i32 : i32, i32
  }
  func.func @transform_1(%arg0: i32) -> (i32, i32) {
    %c0_i32 = arith.constant 0 : i32
    %c0_i32_0 = arith.constant 0 : i32
    return %arg0, %c0_i32 : i32, i32
  }
  func.func @transform_2(%arg0: i32) -> (i32, i32) {
    %c0_i32 = arith.constant 0 : i32
    %c0_i32_0 = arith.constant 0 : i32
    %c0_i32_1 = arith.constant 0 : i32
    return %c0_i32, %c0_i32_0 : i32, i32
  }
  func.func @transform_3(%arg0: i32) -> (i32, i32) {
    %c0_i32 = arith.constant 0 : i32
    %c0_i32_0 = arith.constant 0 : i32
    %c0_i32_1 = arith.constant 0 : i32
    return %c0_i32, %c0_i32_0 : i32, i32
  }
  func.func @transform_4(%arg0: i32) -> (i32, i32) {
    %c0_i32 = arith.constant 0 : i32
    %c0_i32_0 = arith.constant 0 : i32
    %c0_i32_1 = arith.constant 0 : i32
    return %c0_i32, %c0_i32_0 : i32, i32
  }
  func.func @transform_5(%arg0: i32) -> (i32, i32) {
    %c0_i32 = arith.constant 0 : i32
    %c0_i32_0 = arith.constant 0 : i32
    %c0_i32_1 = arith.constant 0 : i32
    return %c0_i32, %c0_i32_0 : i32, i32
  }
  func.func @transform_6(%arg0: i32) -> (i32, i32) {
    %c0_i32 = arith.constant 0 : i32
    %c0_i32_0 = arith.constant 0 : i32
    %c0_i32_1 = arith.constant 0 : i32
    return %c0_i32, %c0_i32_0 : i32, i32
  }
  func.func @transform_7(%arg0: i32) -> (i32, i32) {
    %c0_i32 = arith.constant 0 : i32
    %c0_i32_0 = arith.constant 0 : i32
    return %arg0, %c0_i32 : i32, i32
  }
  func.func @transform_8(%arg0: i32) -> (i32, i32) {
    %c0_i32 = arith.constant 0 : i32
    %c0_i32_0 = arith.constant 0 : i32
    return %arg0, %c0_i32 : i32, i32
  }
  func.func @transform_9(%arg0: i32) -> (i32, i32) {
    %c0_i32 = arith.constant 0 : i32
    %c0_i32_0 = arith.constant 0 : i32
    return %arg0, %c0_i32 : i32, i32
  }
  func.func @transform_10(%arg0: i32) -> (i32, i32) {
    %c0_i32 = arith.constant 0 : i32
    %c0_i32_0 = arith.constant 0 : i32
    return %arg0, %c0_i32 : i32, i32
  }
  func.func @transform_11(%arg0: i32) -> (i32, i32) {
    %c0_i32 = arith.constant 0 : i32
    %c0_i32_0 = arith.constant 0 : i32
    return %arg0, %c0_i32 : i32, i32
  }
  func.func @transform_12(%arg0: i32) -> (i32, i32) {
    %c0_i32 = arith.constant 0 : i32
    %c0_i32_0 = arith.constant 0 : i32
    return %arg0, %c0_i32 : i32, i32
  }
  func.func @transform_13(%arg0: i32) -> (i32, i32) {
    %c0_i32 = arith.constant 0 : i32
    %c0_i32_0 = arith.constant 0 : i32
    %c0_i32_1 = arith.constant 0 : i32
    return %c0_i32, %c0_i32_0 : i32, i32
  }
  func.func @transform_14(%arg0: i32) -> (i32, i32) {
    %c0_i32 = arith.constant 0 : i32
    %c0_i32_0 = arith.constant 0 : i32
    %c0_i32_1 = arith.constant 0 : i32
    return %c0_i32, %c0_i32_0 : i32, i32
  }
}

module attributes {stable_mosaic.version = 14 : i64} {
  func.func @_ffn_body(%arg0: i32, %arg1: i32, %arg2: memref<25xi32, #tpu.memory_space<smem>>, %arg3: memref<256x1024xf32, #tpu.memory_space<vmem>>, %arg4: memref<1x1024x1024xf32, #tpu.memory_space<vmem>>, %arg5: memref<1x1x1024xf32, #tpu.memory_space<vmem>>, %arg6: memref<1x1024x1024xf32, #tpu.memory_space<vmem>>, %arg7: memref<1x1x1024xf32, #tpu.memory_space<vmem>>, %arg8: memref<256x1024xf32, #tpu.memory_space<vmem>>, %arg9: memref<256x1024xf32, #tpu.memory_space<vmem>>) attributes {dimension_semantics = [#tpu.dimension_semantics<arbitrary>, #tpu.dimension_semantics<arbitrary>], iteration_bounds = array<i64: 24, 4>, scalar_prefetch = 1 : i64, scratch_operands = 1 : i64, tpu.core_type = #tpu.core_type<tc>, window_params = [{transform_indices = @transform_0, window_bounds = array<i64: 256, 1024>}, {transform_indices = @transform_1, window_bounds = array<i64: 1, 1024, 1024>}, {transform_indices = @transform_2, window_bounds = array<i64: 1, 1, 1024>}, {transform_indices = @transform_3, window_bounds = array<i64: 1, 1024, 1024>}, {transform_indices = @transform_4, window_bounds = array<i64: 1, 1, 1024>}, {transform_indices = @transform_5, window_bounds = array<i64: 256, 1024>}]} {
    %get3A = arith.constant 24 : index
    %get3A_0 = memref.load %arg2[%get3A] : memref<25xi32, #tpu.memory_space<smem>>
    %lt3A = arith.cmpi slt, %arg0, %get3A_0 : i32
    %convert_element_type3A = arith.extui %lt3A : i1 to i32
    %cond3A = arith.constant 0 : i32
    %cond3A_1 = arith.cmpi ne, %convert_element_type3A, %cond3A : i32
    scf.if %cond3A_1 {
      %eq3A = arith.constant 0 : i32
      %eq3A_2 = arith.cmpi eq, %arg1, %eq3A : i32
      %convert_element_type3A_3 = arith.extui %eq3A_2 : i1 to i32
      %cond3A_4 = arith.constant 0 : i32
      %cond3A_5 = arith.cmpi ne, %convert_element_type3A_3, %cond3A_4 : i32
      scf.if %cond3A_5 {
        %broadcast_in_dim3A = arith.constant 0.000000e+00 : f32
        %broadcast_in_dim3A_48 = vector.broadcast %broadcast_in_dim3A : f32 to vector<256x1024xf32>
        %swap3A_49 = arith.constant 0 : index
        %swap3A_50 = arith.constant 0 : index
        %swap3A_51 = vector.load %arg9[%swap3A_49, %swap3A_50] : memref<256x1024xf32, #tpu.memory_space<vmem>>, vector<256x1024xf32>
        tpu.vector_store %arg9[%swap3A_49, %swap3A_50], %broadcast_in_dim3A_48 {strides = array<i32>} : memref<256x1024xf32, #tpu.memory_space<vmem>>, vector<256x1024xf32>,
      } else {
      }
      %get3A_6 = arith.constant 0 : index
      %get3A_7 = arith.constant 0 : index
      %get3A_8 = vector.load %arg3[%get3A_6, %get3A_7] : memref<256x1024xf32, #tpu.memory_space<vmem>>, vector<256x1024xf32>
      %get3A_9 = arith.constant 0 : index
      %get3A_10 = arith.constant 0 : index
      %get3A_11 = arith.constant 0 : index
      %get3A_12 = vector.load %arg4[%get3A_9, %get3A_10, %get3A_11] : memref<1x1024x1024xf32, #tpu.memory_space<vmem>>, vector<1x1024x1024xf32>
      %get3A_13 = vector.shape_cast %get3A_12 : vector<1x1024x1024xf32> to vector<1024x1024xf32>
      %dot_general3A = arith.constant dense<0.000000e+00> : vector<256x1024xf32>
      %dot_general3A_14 = tpu.matmul %get3A_8, %get3A_13, %dot_general3A {dimension_numbers = #tpu.dot_dimension_numbers<[1], [0], [0], [1], [0, 0, 1, 1], [], []>, transpose_lhs_hint = false} : vector<256x1024xf32>, vector<1024x1024xf32>, vector<256x1024xf32> -> vector<256x1024xf32>
      %get3A_15 = arith.constant 0 : index
      %get3A_16 = arith.constant 0 : index
      %get3A_17 = arith.constant 0 : index
      %get3A_18 = vector.load %arg5[%get3A_15, %get3A_16, %get3A_17] : memref<1x1x1024xf32, #tpu.memory_space<vmem>>, vector<1x1x1024xf32>
      %get3A_19 = vector.shape_cast %get3A_18 : vector<1x1x1024xf32> to vector<1x1024xf32>
      %add3A = vector.broadcast %get3A_19 : vector<1x1024xf32> to vector<256x1024xf32>
      %add3A_20 = arith.addf %dot_general3A_14, %add3A : vector<256x1024xf32>
      %mul3A = arith.constant 5.000000e-01 : f32
      %mul3A_21 = vector.broadcast %mul3A : f32 to vector<256x1024xf32>
      %mul3A_22 = arith.mulf %mul3A_21, %add3A_20 : vector<256x1024xf32>
      %mul3A_23 = arith.constant 0.707106769 : f32
      %mul3A_24 = vector.broadcast %mul3A_23 : f32 to vector<256x1024xf32>
      %mul3A_25 = arith.mulf %add3A_20, %mul3A_24 : vector<256x1024xf32>
      %erf3A = math.erf %mul3A_25 : vector<256x1024xf32>
      %add3A_26 = arith.constant 1.000000e+00 : f32
      %add3A_27 = vector.broadcast %add3A_26 : f32 to vector<256x1024xf32>
      %add3A_28 = arith.addf %add3A_27, %erf3A : vector<256x1024xf32>
      %mul3A_29 = arith.mulf %mul3A_22, %add3A_28 : vector<256x1024xf32>
      %get3A_30 = arith.constant 0 : index
      %get3A_31 = arith.constant 0 : index
      %get3A_32 = vector.load %arg9[%get3A_30, %get3A_31] : memref<256x1024xf32, #tpu.memory_space<vmem>>, vector<256x1024xf32>
      %get3A_33 = arith.constant 0 : index
      %get3A_34 = arith.constant 0 : index
      %get3A_35 = arith.constant 0 : index
      %get3A_36 = vector.load %arg6[%get3A_33, %get3A_34, %get3A_35] : memref<1x1024x1024xf32, #tpu.memory_space<vmem>>, vector<1x1024x1024xf32>
      %get3A_37 = vector.shape_cast %get3A_36 : vector<1x1024x1024xf32> to vector<1024x1024xf32>
      %dot_general3A_38 = arith.constant dense<0.000000e+00> : vector<256x1024xf32>
      %dot_general3A_39 = tpu.matmul %mul3A_29, %get3A_37, %dot_general3A_38 {dimension_numbers = #tpu.dot_dimension_numbers<[1], [0], [0], [1], [0, 0, 1, 1], [], []>, transpose_lhs_hint = false} : vector<256x1024xf32>, vector<1024x1024xf32>, vector<256x1024xf32> -> vector<256x1024xf32>
      %add3A_40 = arith.addf %get3A_32, %dot_general3A_39 : vector<256x1024xf32>
      %swap3A = arith.constant 0 : index
      %swap3A_41 = arith.constant 0 : index
      %swap3A_42 = vector.load %arg9[%swap3A, %swap3A_41] : memref<256x1024xf32, #tpu.memory_space<vmem>>, vector<256x1024xf32>
      tpu.vector_store %arg9[%swap3A, %swap3A_41], %add3A_40 {strides = array<i32>} : memref<256x1024xf32, #tpu.memory_space<vmem>>, vector<256x1024xf32>,
      %eq3A_43 = arith.constant 3 : i32
      %eq3A_44 = arith.cmpi eq, %arg1, %eq3A_43 : i32
      %convert_element_type3A_45 = arith.extui %eq3A_44 : i1 to i32
      %cond3A_46 = arith.constant 0 : i32
      %cond3A_47 = arith.cmpi ne, %convert_element_type3A_45, %cond3A_46 : i32
      scf.if %cond3A_47 {
        %get3A_48 = arith.constant 0 : index
        %get3A_49 = arith.constant 0 : index
        %get3A_50 = vector.load %arg9[%get3A_48, %get3A_49] : memref<256x1024xf32, #tpu.memory_space<vmem>>, vector<256x1024xf32>
        %get3A_51 = arith.constant 0 : index
        %get3A_52 = arith.constant 0 : index
        %get3A_53 = arith.constant 0 : index
        %get3A_54 = vector.load %arg7[%get3A_51, %get3A_52, %get3A_53] : memref<1x1x1024xf32, #tpu.memory_space<vmem>>, vector<1x1x1024xf32>
        %get3A_55 = vector.shape_cast %get3A_54 : vector<1x1x1024xf32> to vector<1x1024xf32>
        %add3A_56 = vector.broadcast %get3A_55 : vector<1x1024xf32> to vector<256x1024xf32>
        %add3A_57 = arith.addf %get3A_50, %add3A_56 : vector<256x1024xf32>
        %swap3A_58 = arith.constant 0 : index
        %swap3A_59 = arith.constant 0 : index
        %swap3A_60 = vector.load %arg8[%swap3A_58, %swap3A_59] : memref<256x1024xf32, #tpu.memory_space<vmem>>, vector<256x1024xf32>
        tpu.vector_store %arg8[%swap3A_58, %swap3A_59], %add3A_57 {strides = array<i32>} : memref<256x1024xf32, #tpu.memory_space<vmem>>, vector<256x1024xf32>,
      } else {
      }
    } else {
    }
    return
  }
  func.func @transform_0(%arg0: i32, %arg1: i32, %arg2: memref<25xi32, #tpu.memory_space<smem>>) -> (i32, i32) {
    %get3A = arith.constant 24 : index
    %get3A_0 = memref.load %arg2[%get3A] : memref<25xi32, #tpu.memory_space<smem>>
    %lt3A = arith.cmpi slt, %arg0, %get3A_0 : i32
    %get3A_1 = arith.constant 24 : index
    %get3A_2 = memref.load %arg2[%get3A_1] : memref<25xi32, #tpu.memory_space<smem>>
    %sub3A = arith.constant 1 : i32
    %sub3A_3 = arith.subi %get3A_2, %sub3A : i32
    %select_n3A = arith.select %lt3A, %arg0, %sub3A_3 : i32
    %c0_i32 = arith.constant 0 : i32
    %c0_i32_4 = arith.constant 0 : i32
    return %select_n3A, %c0_i32 : i32, i32
  }
  func.func @transform_1(%arg0: i32, %arg1: i32, %arg2: memref<25xi32, #tpu.memory_space<smem>>) -> (i32, i32, i32) {
    %get3A = arith.index_cast %arg0 : i32 to index
    %get3A_0 = memref.load %arg2[%get3A] : memref<25xi32, #tpu.memory_space<smem>>
    %c0_i32 = arith.constant 0 : i32
    %c0_i32_1 = arith.constant 0 : i32
    return %get3A_0, %c0_i32, %arg1 : i32, i32, i32
  }
  func.func @transform_2(%arg0: i32, %arg1: i32, %arg2: memref<25xi32, #tpu.memory_space<smem>>) -> (i32, i32, i32) {
    %get3A = arith.index_cast %arg0 : i32 to index
    %get3A_0 = memref.load %arg2[%get3A] : memref<25xi32, #tpu.memory_space<smem>>
    %mul3A = arith.constant 4 : i32
    %mul3A_1 = arith.muli %get3A_0, %mul3A : i32
    %add3A = arith.addi %mul3A_1, %arg1 : i32
    %c0_i32 = arith.constant 0 : i32
    %c0_i32_2 = arith.constant 0 : i32
    %c0_i32_3 = arith.constant 0 : i32
    return %add3A, %c0_i32, %c0_i32_2 : i32, i32, i32
  }
  func.func @transform_3(%arg0: i32, %arg1: i32, %arg2: memref<25xi32, #tpu.memory_space<smem>>) -> (i32, i32, i32) {
    %get3A = arith.index_cast %arg0 : i32 to index
    %get3A_0 = memref.load %arg2[%get3A] : memref<25xi32, #tpu.memory_space<smem>>
    %c0_i32 = arith.constant 0 : i32
    %c0_i32_1 = arith.constant 0 : i32
    return %get3A_0, %arg1, %c0_i32 : i32, i32, i32
  }
  func.func @transform_4(%arg0: i32, %arg1: i32, %arg2: memref<25xi32, #tpu.memory_space<smem>>) -> (i32, i32, i32) {
    %get3A = arith.index_cast %arg0 : i32 to index
    %get3A_0 = memref.load %arg2[%get3A] : memref<25xi32, #tpu.memory_space<smem>>
    %c0_i32 = arith.constant 0 : i32
    %c0_i32_1 = arith.constant 0 : i32
    %c0_i32_2 = arith.constant 0 : i32
    return %get3A_0, %c0_i32, %c0_i32_1 : i32, i32, i32
  }
  func.func @transform_5(%arg0: i32, %arg1: i32, %arg2: memref<25xi32, #tpu.memory_space<smem>>) -> (i32, i32) {
    %get3A = arith.constant 24 : index
    %get3A_0 = memref.load %arg2[%get3A] : memref<25xi32, #tpu.memory_space<smem>>
    %lt3A = arith.cmpi slt, %arg0, %get3A_0 : i32
    %get3A_1 = arith.constant 24 : index
    %get3A_2 = memref.load %arg2[%get3A_1] : memref<25xi32, #tpu.memory_space<smem>>
    %sub3A = arith.constant 1 : i32
    %sub3A_3 = arith.subi %get3A_2, %sub3A : i32
    %select_n3A = arith.select %lt3A, %arg0, %sub3A_3 : i32
    %c0_i32 = arith.constant 0 : i32
    %c0_i32_4 = arith.constant 0 : i32
    return %select_n3A, %c0_i32 : i32, i32
  }
}

</mosaic_0001>

<sc_bundles>
// kernel: gather_offload_async_start.1
scs
__scs_entry_jumppad:
0x0: {  	(pc) =	sbr.rel $0x88, $3  }
0x1: {  	(tag) =	ssettag $0x0;
	lr =	simm.s32 $0x1  }
0x2: {  	[smem:$0x3F8F] =	sst lr;
	_ =	strace $0xD0000000  }
0x3: {  	_ = 	snop  }
0x4: {  	_ = 	snop  }
0x5: {  	_ = 	snop  }
0x6: {  	_ = 	snop  }
0x7: {  	_ = 	snop  }
__scs_overlays_trampoline_lowered:
0x8: {  	[smem:$0x3F9E] =	sst s0  }
0x9: {  	[smem:$0x3F9F] =	sst s1  }
0xa: {  	[smem:$0x3FA0] =	sst s2  }
0xb: {  	[smem:$0x3FA1] =	sst s3  }
0xc: {  	[smem:$0x3FA2] =	sst s4  }
0xd: {  	[smem:$0x3FA3] =	sst s5  }
0xe: {  	[smem:$0x3FA4] =	sst s6  }
0xf: {  	[smem:$0x3FA5] =	sst s7  }
0x10: {  	[smem:$0x3FA6] =	sst s8  }
0x11: {  	[smem:$0x3FA7] =	sst s9;
	s0 =	simm.s32 @!p0 $0x0  }
0x12: {  	s1 =	sld [smem:$0x3F8D];
	s0 =	simm.s32 @p0 $0x1  }
0x13: {  	[smem:$0x3FA8] =	sst s0;
	s0 =	simm.s32 @!p1 $0x0  }
0x14: {  	s2 =	sld [smem:$0x3F8C];
	s0 =	simm.s32 @p1 $0x1  }
0x15: {  	[smem:$0x3FA9] =	sst s0;
	s0 =	simm.s32 @!p2 $0x0  }
0x16: {  	s3 =	sld [smem:$0x3FDB];
	s0 =	simm.s32 @p2 $0x1  }
0x17: {  	s4 =	simm.s32 $0x1BF5;
	[smem:$0x3FAB] =	sst s0  }
0x18: {  	s0 =	sld [smem:$0x3F8E];
	_ =	swait.ge [sflag:s4], $0x0  }
0x19: {  	s7 =	sld [smem:$0x3F8F]  }
0x1a: {  	s8 =	sadd.s32 $0xFFFFE003, lr  }
0x1b: {  	s9 =	sadd.s32 $0xFFFFFEF7, lr;
	s5 =	simm.s32 $0xFFFFFFFF;
	p2 =	slt.u32 s8, $0xFFFFF086  }
0x1c: {  	p1 =	slt.u32 s9, $0xF7A;
	s5 =	simm.s32 @!p2 $0x0  }
0x1d: {  	s5 =	simm.s32 @p1 $0x1;
	p0 =	seq.s32 s7, s2  }
0x1e: {  	s7 =	smul.u32 @!p0 $0xF7A, s2;
	p2 =	seq.s32 @!p0 s5, $0x0  }
0x1f: {  	s9 =	smul.u32 $0xF7A, s1;
	s8 =	simm.s32 @!p0 $0x1BF5;
	p2 =	por !p2, p0  }
0x20: {  	[sflag:s8] =	ssyncset.s32 @!p0 $0xFFFFF086;
	s6 =	sadd.s32 @!p0 s3, s7;
	s7 =	simm.s32 @!p0 $0x108  }
0x21: {  	s3 =	sadd.s32 s3, s9;
	s6 =	sadd.s32 @!p0 $0x88, s6;
	s7 =	simm.s32 @p2 $0x1082  }
0x22: {  	[simem:s7], [sflag:s8] =	dma.local @!p0 [hbm:s6], $0xF7A  }
0x23: {  	s9 =	sor.u32 $0xD0000000, s2;
	s6 =	simm.s32 $0x108;
	_ =	swait.ge @!p0 [sflag:s8], $0x0  }
0x24: {  	s3 =	sadd.s32 $0x88, s3;
	s6 =	simm.s32 @!p1 $0x1082;
	[sflag:s4] =	ssyncset.s32 $0xFFFFF086  }
0x25: {  	[simem:s6], [sflag:s4] =	dma.local [hbm:s3], $0xF7A  }
0x26: {  	[smem:$0x3F8F] =	sst s1;
	(tag) =	ssettag s2;
	_ =	strace s9  }
0x27: {  	s1 =	sld [smem:$0x3F9F]  }
0x28: {  	s2 =	sld [smem:$0x3FA0]  }
0x29: {  	s4 =	sld [smem:$0x3FA2]  }
0x2a: {  	p0 =	seq.s32 s5, $0x0;
	s5 =	sld [smem:$0x3FA3]  }
0x2b: {  	s6 =	sld [smem:$0x3FA4]  }
0x2c: {  	s7 =	sld [smem:$0x3FA5]  }
0x2d: {  	s3 =	simm.s32 $0x108;
	s8 =	sld [smem:$0x3FA6]  }
0x2e: {  	s3 =	simm.s32 @!p0 $0x1082;
	s9 =	sld [smem:$0x3FA7]  }
0x2f: {  	lr =	sadd.s32 s0, s3;
	s0 =	sld [smem:$0x3F9E]  }
0x30: {  	s3 =	sld [smem:$0x3FA1]  }
0x31: {  	[smem:$0x3FAA] =	sst s10  }
0x32: {  	s10 =	sld [smem:$0x3FA8];
	_ =	sdelay $0x3  }
0x33: {  	p0 =	seq.s32 s10, $0x1;
	s10 =	sld [smem:$0x3FAA];
	_ =	sdelay $0x3  }
0x34: {  	[smem:$0x3FAA] =	sst s10  }
0x35: {  	s10 =	sld [smem:$0x3FA9];
	_ =	sdelay $0x3  }
0x36: {  	p1 =	seq.s32 s10, $0x1;
	s10 =	sld [smem:$0x3FAA];
	_ =	sdelay $0x3  }
0x37: {  	[smem:$0x3FAA] =	sst s10  }
0x38: {  	s10 =	sld [smem:$0x3FAB]  }
0x39: {  	_ = 	snop;
	(pc) =	sbr.ind lr, $3  }
0x3a: {  	_ = 	snop  }
0x3b: {  	_ = 	snop  }
0x3c: {  	p2 =	seq.s32 s10, $0x1;
	s10 =	sld [smem:$0x3FAA]  }
0x3d: {  	_ =	shalt  }
0x3e: {  	_ =	shalt  }
0x3f: {  	_ =	shalt  }
0x40: {  	_ =	shalt  }
0x41: {  	_ =	shalt  }
0x42: {  	_ =	shalt  }
0x43: {  	_ =	shalt  }
0x44: {  	_ =	shalt  }
0x45: {  	_ =	shalt  }
0x46: {  	_ =	shalt  }
0x47: {  	_ =	shalt  }
0x48: {  	_ =	shalt  }
0x49: {  	_ =	shalt  }
0x4a: {  	_ =	shalt  }
0x4b: {  	_ =	shalt  }
0x4c: {  	_ =	shalt  }
0x4d: {  	_ =	shalt  }
0x4e: {  	_ =	shalt  }
0x4f: {  	_ =	shalt  }
0x50: {  	_ =	shalt  }
0x51: {  	_ =	shalt  }
0x52: {  	_ =	shalt  }
0x53: {  	_ =	shalt  }
0x54: {  	_ =	shalt  }
0x55: {  	_ =	shalt  }
0x56: {  	_ =	shalt  }
0x57: {  	_ =	shalt  }
0x58: {  	_ =	shalt  }
0x59: {  	_ =	shalt  }
0x5a: {  	_ =	shalt  }
0x5b: {  	_ =	shalt  }
0x5c: {  	_ =	shalt  }
0x5d: {  	_ =	shalt  }
0x5e: {  	_ =	shalt  }
0x5f: {  	_ =	shalt  }
0x60: {  	_ =	shalt  }
0x61: {  	_ =	shalt  }
0x62: {  	_ =	shalt  }
0x63: {  	_ =	shalt  }
0x64: {  	_ =	shalt  }
0x65: {  	_ =	shalt  }
0x66: {  	_ =	shalt  }
0x67: {  	_ =	shalt  }
0x68: {  	_ =	shalt  }
0x69: {  	_ =	shalt  }
0x6a: {  	_ =	shalt  }
0x6b: {  	_ =	shalt  }
0x6c: {  	_ =	shalt  }
0x6d: {  	_ =	shalt  }
0x6e: {  	_ =	shalt  }
0x6f: {  	_ =	shalt  }
0x70: {  	_ =	shalt  }
0x71: {  	_ =	shalt  }
0x72: {  	_ =	shalt  }
0x73: {  	_ =	shalt  }
0x74: {  	_ =	shalt  }
0x75: {  	_ =	shalt  }
0x76: {  	_ =	shalt  }
0x77: {  	_ =	shalt  }
0x78: {  	_ =	shalt  }
0x79: {  	_ =	shalt  }
0x7a: {  	_ =	shalt  }
0x7b: {  	_ =	shalt  }
0x7c: {  	_ =	shalt  }
0x7d: {  	_ =	shalt  }
0x7e: {  	_ =	shalt  }
0x7f: {  	_ =	shalt  }
0x80: {  	_ =	shalt  }
0x81: {  	_ =	shalt  }
0x82: {  	_ =	shalt  }
0x83: {  	_ =	shalt  }
0x84: {  	_ =	shalt  }
0x85: {  	_ =	shalt  }
0x86: {  	_ =	shalt  }
0x87: {  	_ =	shalt  }
.Lfunc_end0:
.L_simem_size_0:
called_computation.1_lowered:
.L_overlay_start_0:
0x88: {  	s2 =	sld [smem:$0x3FD9]  }
0x89: {  	s3 =	sld [smem:$0x3FFE];
	_ =	sdelay $0x1  }
0x8a: {  	s1 =	srdreg.scid  }
0x8b: {  	s0 =	sand.u32 $0x1, s1  }
0x8c: {  	s16 =	sshll.u32 s0, $0xA;
	s2 =	sadd.s32 s3, s2  }
0x8d: {  	s2 =	sadd.s32 s2, s16  }
0x8e: {  	[smem:$0x3FB6] =	sst s2  }
0x8f: {  	_ = 	snop  }
0x90: {  	(tm) =	ssettm $0x1  }
0x91: {  	s17 =	sld [smem:$0x3FFB];
	_ =	sdelay $0x3  }
0x92: {  	_ =	strace s17  }
0x93: {  	s2 =	sld [smem:$0x3FFC];
	_ =	sdelay $0x3  }
0x94: {  	_ =	strace s2  }
0x95: {  	s2 =	sld [smem:$0x3FFD];
	_ =	sdelay $0x3  }
0x96: {  	_ =	strace s2  }
0x97: {  	_ =	strace $0x8FFFFFFF  }
0x98: {  	s18 =	sld [smem:$0x3FDB];
	_ =	sdelay $0x1  }
0x99: {  	s19 =	simm.s32 $_scs_section_size  }
0x9a: {  	s4 =	simm.s32 $_size__tile_overlayer_lowered;
	s5 =	simm.s32 $_tile_overlayer_lowered  }
0x9b: {  	s22 =	simm.s32 $0x1BFF;
	s21 =	sshll.u32 s5, $0x1;
	s2 =	sadd.s32 s19, s18  }
0x9c: {  	s6 =	simm.s32 $0x0;
	s20 =	sshll.u32 s4, $0x1;
	s4 =	sadd.s32 s21, s2  }
0x9d: {  	[timem:s6], [sflag:s22] =	dma.local [hbm:s4], s20  }
0x9e: {  	_ =	swait.ge [sflag:s22], s20  }
0x9f: {  	s3 =	ssub.s32 $0x0, s20;
	[sflag:s22] =	ssyncset.done $0x0  }
0xa0: {  	[sflag:s22] =	ssyncadd.s32 s3;
	_ =	sdelay $0x1  }
0xa1: {  	s23 =	simm.s32 $0x1B8B  }
0xa2: {  	_ =	swait.ge [sflag:s23], $0x1  }
0xa3: {  	[sflag:s23] =	ssyncset.done $0x0  }
0xa4: {  	s25 =	simm.s32 $0x1B8E;
	s24 =	sld [smem:$0x3FFE];
	[sflag:s23] =	ssyncadd.s32 $0xFFFFFFFF  }
0xa5: {  	s26 =	simm.s32 $execute0_lowered;
	[smem:$0x3FD2] =	sst s25  }
0xa6: {  	s4 =	sshll.u32 s26, $0x1;
	_ =	strace $0x80000049;
	[dreg:$0x1] =	wrdreg $0xFFFFFFFF  }
0xa7: {  	s28 =	simm.s32 $_size_execute0_lowered;
	s2 =	sadd.s32 s2, s4;
	[dreg:$0x0] =	wrdreg $0x0  }
0xa8: {  	s4 =	sshll.u32 s28, $0x1;
	[dreg:$0x2] =	wrdreg s2  }
0xa9: {  	[dreg:$0x3] =	wrdreg s4  }
0xaa: {  	[dreg:$0x4] =	wrdreg $0xC0  }
0xab: {  	_ =	task [dreg:s6], $0x5FFFF  }
0xac: {  	[dreg:$0x1] =	wrdreg $0xFFFFFFFF  }
0xad: {  	[dreg:$0x0] =	wrdreg $0x60  }
0xae: {  	[dreg:$0x2] =	wrdreg s24  }
0xaf: {  	[dreg:$0x3] =	wrdreg $0xA  }
0xb0: {  	_ =	task.clear_ibuf [dreg:s6], $0x4FFFF;
	_ =	strace $0x90000049  }
0xb1: {  	s29 =	simm.s32 $0xA;
	_ =	strace $0x8000004B  }
0xb2: {  	_ =	swait.ge [sflag:s29], $0x1  }
0xb3: {  	[sflag:s29] =	ssyncadd.s32 $0xFFFFFFFF  }
0xb4: {  	_ =	strace $0x9000004B  }
0xb5: {  	_ =	sfence  }
0xb6: {  	s30 =	sld [smem:$0x0];
	_ =	sdelay $0x2  }
0xb7: {  	s31 =	sshll.u32 s1, $0xD;
	s1 =	sshrl.u32 s1, $0x2  }
0xb8: {  	s3 =	sand.u32 $0x4000, s31;
	s1 =	sadd.s32 s1, s30  }
0xb9: {  	s0 =	sor.u32 s3, s0;
	s1 =	sshll.u32 s1, $0x11  }
0xba: {  	s0 =	sor.u32 s1, s0  }
0xbb: {  	s0 =	sadd.s32 $0x8F2B, s0  }
0xbc: {  	[sflag:s0] =	ssyncadd.remote.s32 $0x1  }
0xbd: {  	_ =	sfence.sel $0xFFFF  }
0xbe: {  	[dreg:$0x0] =	wrdreg $0xFFFFFFFF;
	(pc) =	sbr.abs _section_cstart, $3  }
0xbf: {  	[dreg:$0x1] =	wrdreg $0xFFFFFFFF  }
0xc0: {  	_ =	task.clear_ibuf [dreg:s6], $0x2FFFF;
	_ =	strace $0x9FFFFFFF  }
0xc1: {  	(tm) =	ssettm $0x7FFFFFFF  }
tec
execute0_lowered:
.L_overlay_start_1:
0x0: {  	(tag) =	ssettag $0x1  }
0x1: {  	s7 =	rddreg [dreg:$0x0]  }
0x2: {  	s0 =	rddreg [dreg:$0x1];
	_ =	strace $0x8000004A  }
0x3: {  	s1 =	srdreg.scid;
	s4 =	simm.s32 $0x1;
	s9 =	simm.s32 $0x3  }
0x4: {  	s11 =	simm.s32 $0x0;
	p0 =	por $0x0, $0x0;
	s5 =	sshll.u32 s1, $0x4  }
.Ltmp0:
0x5: {  	s1 =	stileid.u32;
	s5 =	sand.u32 $0x10, s5;
	(pc) =	sbr.rel .LBB2_1-.Ltmp0, $4  }
0x6: {  	s2 =	sadd.s32 $0x112600, s7;
	s3 =	sadd.s32 $0x51400, s7;
	s6 =	sor.u32 s1, s5  }
0x7: {  	[sflag:s4] =	ssyncpa.u1 $0x0;
	s5 =	simm.s32 $0x2;
	s6 =	sshll.u32 s6, $0x6  }
0x8: {  	s7 =	sadd.s32 $0x1000, s7;
	[sflag:s5] =	ssyncpa.u1 $0x0;
	s8 =	sadd.s32 $0x40, s6  }
0x9: {  	vm0 =	vmmov $0xff;
	vm1 =	vcmask $0x3F20;
	[sflag:s9] =	ssyncpa.u1 $0x0;
	s10 =	smov.u32 s6;
	s9 =	simm.s32 $0x0  }
.LBB2_9:
0xa: {  	p1 =	slt.u32 s9, $0x2;
	s11 =	sadd.s32 $0x20, s10  }
0xb: {  	s13 =	smov.u32 s6;
	s9 =	sadd.s32 $0x1, s9;
	p2 =	slt.s32 s11, s8  }
0xc: {  	s13 =	smov.u32 @p2 s11;
	p2 =	sne.s32 s9, $0x4  }
.Ltmp1:
0xd: {  	_ = 	snop;
	(pc) =	sbr.rel @!p2 .LBB2_10-.Ltmp1, $4  }
0xe: {  	s12 =	simm.s32 @!p1 $0x3  }
0xf: {  	_ =	swait.ge @!p1 [sflag:s12], $0x8000  }
0x10: {  	p0 =	por !p0, !p0;
	[sflag:s12] =	ssyncset.done @!p1 $0x0  }
0x11: {  	s11 =	smov.u32 s10;
	s10 =	smov.u32 s13;
	[sflag:s12] =	ssyncadd.s32 @!p1 $0xFFFF8000  }
.LBB2_1:
0x12: {  	p1 =	sgt.u32 s9, $0x1  }
0x13: {  	s12 =	sshll.u32 @!p1 s9, $0x5;
	s13 =	sshrl.u32 @!p1 s10, $0x3  }
0x14: {  	s14 =	sand.u32 @!p1 $0x7, s10;
	s12 =	sxor.u32 @!p1 $0x20, s12;
	s13 =	sadd.s32 @!p1 s3, s13  }
0x15: {  	[tilespmem:s12], [sflag:$0x2] =	stream.linear.gather @!p1 [hbm4b:s13+s14], $0x20, $0x38;
	[tilespmem:$0x10040] =	vst v63  }
0x16: {  	p1 =	seq.s32 s9, $0x0  }
0x17: {  	p2 =	seq.s32 @!p1 s9, $0x3  }
0x18: {  	p1 =	por p1, p2  }
.Ltmp2:
0x19: {  	_ = 	snop;
	(pc) =	sbr.rel @p1 .LBB2_9-.Ltmp2, $1  }
0x1a: {  	_ =	sdelay $0x3  }
0x1b: {  	s12 =	simm.s32 $0x1  }
0x1c: {  	_ =	swait.ge [sflag:s5], $0x20;
	s13 =	sand.u32 $0x1, s9;
	s12 =	simm.s32 @!p0 $0x0  }
0x1d: {  	s15 =	simm.s32 $0x0;
	p2 =	por $0x1, $0x1;
	s12 =	sshll.u32 s12, $0x11  }
0x1e: {  	[sflag:s5] =	ssyncset.done $0x0;
	s13 =	sshll.u32 s13, $0x5;
	s14 =	sshrl.u32 s12, $0x2  }
0x1f: {  	[sflag:s5] =	ssyncadd.s32 $0xFFFFFFE0;
	s12 =	sor.u32 $0x40, s14;
	s14 =	sadd.s32 $0x40, s14  }
.LBB2_3:
0x20: {  	s16 =	sshll.u32 s15, $0x4  }
0x21: {  	s16 =	sand.u32 $0x3FFFFFF0, s16  }
0x22: {  	s16 =	sadd.s32 s16, s13  }
0x23: {  	v0 =	vld.msk [tilespmem:s16+$0x0 ss:$0x1], $0xffff;
	_ =	sdelay $0x4  }
0x24: {  	vm2 =	vgt.s32 v0, $0x0  }
0x25: {  	v0 =	vnsel vm2, $0x0, v0  }
0x26: {  	v0 =	vmin.u32 v0, $0x17FF  }
0x27: {  	v1 =	vshll.u32 v0, $0x7;
	v0 =	vshll.u32 v0, $0x4  }
0x28: {  	v1 =	vand.u32 $0xFFC00, v1;
	v0 =	vand.u32 $0x70, v0  }
0x29: {  	v0 =	vor.u32 v0, v1  }
0x2a: {  	s31 =	sshll.u32 s15, $0x10  }
0x2b: {  	s15 =	sshra.s32 s31, $0x2  }
0x2c: {  	s15 =	sadd.s32 s15, s14  }
0x2d: {  	s17 =	sadd.s32 $0x0, s15  }
0x2e: {  	[tilespmem:s17], [sflag:$0x1] =	stream.indirect_vreg.gather [hbm:s2], $0x80, v0, vm0, $0x38;
	[tilespmem:$0x10040] =	vst v63  }
0x2f: {  	p1 =	por p2, p2;
	s16 =	simm.s32 $0x1000;
	v1 =	vadd.s32 $0x80, v0;
	s17 =	sadd.s32 $0x2000, s17  }
.LBB2_4:
0x30: {  	[tilespmem:s17], [sflag:$0x1] =	stream.indirect_vreg.gather [hbm:s2], $0x80, v0, vm1, $0x38;
	[tilespmem:$0x10040] =	vst v63  }
0x31: {  	v0 =	vmov v1;
	s17 =	smov.u32 s16;
	p2 =	sne.s32 s16, $0x7000  }
.Ltmp3:
0x32: {  	s16 =	sadd.s32 $0x1000, s16;
	(pc) =	sbr.rel @p2 .LBB2_4-.Ltmp3, $4  }
0x33: {  	s17 =	sshra.s32 s17, $0x2  }
0x34: {  	s17 =	sadd.s32 s17, s15  }
0x35: {  	[tilespmem:s17], [sflag:$0x1] =	stream.indirect_vreg.gather [hbm:s2], $0x80, v1, vm0, $0x38;
	[tilespmem:$0x10040] =	vst v63  }
0x36: {  	s17 =	sadd.s32 $0x2000, s17;
	v1 =	vadd.s32 $0x80, v1  }
0x37: {  	_ = 	snop  }
.Ltmp4:
0x38: {  	_ = 	snop;
	(pc) =	sbr.rel @p1 .LBB2_3-.Ltmp4, $3  }
0x39: {  	_ =	sdelay $0x1  }
0x3a: {  	[tilespmem:s17], [sflag:$0x1] =	stream.indirect_vreg.gather [hbm:s2], $0x80, v0, vm1, $0x38;
	[tilespmem:$0x10040] =	vst v63  }
0x3b: {  	s15 =	simm.s32 $0x1;
	p2 =	por $0x0, $0x0  }
0x3c: {  	s13 =	sshll.u32 s11, $0x7  }
0x3d: {  	s31 =	sshll.u32 s11, $0x4;
	s13 =	sand.u32 $0xFFFFFC00, s13  }
0x3e: {  	_ =	swait.ge [sflag:s4], $0x8000;
	s11 =	sand.u32 $0x70, s31;
	s13 =	sadd.s32 s13, s7  }
0x3f: {  	s14 =	sadd.s32 $0x2000, s12;
	[sflag:s4] =	ssyncset.done $0x0;
	s11 =	sadd.s32 s11, s13  }
0x40: {  	[sflag:s4] =	ssyncadd.s32 $0xFFFF8000;
	s13 =	simm.s32 $0x400;
	s15 =	sadd.s32 $0x0, s11  }
.LBB2_7:
0x41: {  	[hbm:s15] =	stream.linear.scatter [tilespmem:s12], [sflag:$0x3], $0x2000, $0x38;
	[tilespmem:$0x10040] =	vst v63  }
0x42: {  	s15 =	smov.u32 s13;
	s12 =	smov.u32 s14;
	p1 =	sne.s32 s13, $0xC00  }
.Ltmp5:
0x43: {  	s13 =	sadd.s32 $0x400, s13;
	(pc) =	sbr.rel @p1 .LBB2_7-.Ltmp5, $2  }
0x44: {  	_ =	sdelay $0x2  }
0x45: {  	s14 =	sadd.s32 $0x2000, s14;
	s15 =	sadd.s32 s15, s11  }
.Ltmp6:
0x46: {  	(pc) =	sbr.rel .LBB2_9-.Ltmp6, $2  }
0x47: {  	_ =	sdelay $0x2  }
0x48: {  	[hbm:s15] =	stream.linear.scatter [tilespmem:s12], [sflag:$0x3], $0x2000, $0x38;
	[tilespmem:$0x10040] =	vst v63  }
.LBB2_10:
0x49: {  	_ =	sfence.sel $0x180000  }
0x4a: {  	s2 =	simm.s32 $0x2;
	[bflag:$0x0] =	sbarrier.arrive $0xFFFF  }
0x4b: {  	s30 =	simm.s32 $0x3;
	[sflag:s2] =	ssyncpa.u1 $0x1  }
0x4c: {  	s31 =	simm.s32 $0x1;
	[sflag:s30] =	ssyncpa.u1 $0x1  }
0x4d: {  	[sflag:s31] =	ssyncpa.u1 $0x1  }
0x4e: {  	p0 =	sne.s32 s1, $0x0;
	_ =	strace $0x9000004A  }
0x4f: {  	s0 =	sadd.s32 @!p0 $0x100000, s0;
	[bflag:$0x2] =	sbarrier.arrive $0xFFFF  }
0x50: {  	[sflag:s0] =	ssyncadd.tile.s32 @!p0 $0x1;
	_ =	shalt  }
.Lfunc_end2:
_tile_overlayer_lowered:
.L_overlay_start_2:
0x51: {  	(tag) =	ssettag $0x2  }
0x52: {  	s0 =	rddreg [dreg:$0x0];
	s2 =	stileid.u32  }
0x53: {  	s1 =	rddreg [dreg:$0x1];
	p0 =	sne.s32 s2, $0x0  }
0x54: {  	s3 =	rddreg [dreg:$0x2];
	[bflag:$0x3] =	sbarrier.arrive $0xFFFF;
	s2 =	simm.s32 @!p0 $0x1C01  }
0x55: {  	[timem:s3], [sflag:s2] =	dma.local @!p0 [hbm:s0], s1  }
0x56: {  	s0 =	simm.s32 @!p0 $0x1  }
0x57: {  	_ =	swait.ge @!p0 [sflag:s0], s1  }
0x58: {  	s1 =	ssub.s32 @!p0 $0x0, s1;
	[sflag:s0] =	ssyncset.done @!p0 $0x0  }
0x59: {  	[sflag:s0] =	ssyncadd.s32 @!p0 s1  }
0x5a: {  	[bflag:$0x3] =	sbarrier.arrive $0xFFFF  }
0x5b: {  	_ =	shalt  }

// kernel: gather_offload_async_start.2
scs
__scs_entry_jumppad:
0x0: {  	(pc) =	sbr.rel $0x88, $3  }
0x1: {  	(tag) =	ssettag $0x0;
	lr =	simm.s32 $0x1  }
0x2: {  	[smem:$0x3F8F] =	sst lr;
	_ =	strace $0xD0000000  }
0x3: {  	_ = 	snop  }
0x4: {  	_ = 	snop  }
0x5: {  	_ = 	snop  }
0x6: {  	_ = 	snop  }
0x7: {  	_ = 	snop  }
__scs_overlays_trampoline_lowered:
0x8: {  	[smem:$0x3F9E] =	sst s0  }
0x9: {  	[smem:$0x3F9F] =	sst s1  }
0xa: {  	[smem:$0x3FA0] =	sst s2  }
0xb: {  	[smem:$0x3FA1] =	sst s3  }
0xc: {  	[smem:$0x3FA2] =	sst s4  }
0xd: {  	[smem:$0x3FA3] =	sst s5  }
0xe: {  	[smem:$0x3FA4] =	sst s6  }
0xf: {  	[smem:$0x3FA5] =	sst s7  }
0x10: {  	[smem:$0x3FA6] =	sst s8  }
0x11: {  	[smem:$0x3FA7] =	sst s9;
	s0 =	simm.s32 @!p0 $0x0  }
0x12: {  	s1 =	sld [smem:$0x3F8D];
	s0 =	simm.s32 @p0 $0x1  }
0x13: {  	[smem:$0x3FA8] =	sst s0;
	s0 =	simm.s32 @!p1 $0x0  }
0x14: {  	s2 =	sld [smem:$0x3F8C];
	s0 =	simm.s32 @p1 $0x1  }
0x15: {  	[smem:$0x3FA9] =	sst s0;
	s0 =	simm.s32 @!p2 $0x0  }
0x16: {  	s3 =	sld [smem:$0x3FDB];
	s0 =	simm.s32 @p2 $0x1  }
0x17: {  	s4 =	simm.s32 $0x1BF5;
	[smem:$0x3FAB] =	sst s0  }
0x18: {  	s0 =	sld [smem:$0x3F8E];
	_ =	swait.ge [sflag:s4], $0x0  }
0x19: {  	s7 =	sld [smem:$0x3F8F]  }
0x1a: {  	s8 =	sadd.s32 $0xFFFFE003, lr  }
0x1b: {  	s9 =	sadd.s32 $0xFFFFFEF7, lr;
	s5 =	simm.s32 $0xFFFFFFFF;
	p2 =	slt.u32 s8, $0xFFFFF086  }
0x1c: {  	p1 =	slt.u32 s9, $0xF7A;
	s5 =	simm.s32 @!p2 $0x0  }
0x1d: {  	s5 =	simm.s32 @p1 $0x1;
	p0 =	seq.s32 s7, s2  }
0x1e: {  	s7 =	smul.u32 @!p0 $0xF7A, s2;
	p2 =	seq.s32 @!p0 s5, $0x0  }
0x1f: {  	s9 =	smul.u32 $0xF7A, s1;
	s8 =	simm.s32 @!p0 $0x1BF5;
	p2 =	por !p2, p0  }
0x20: {  	[sflag:s8] =	ssyncset.s32 @!p0 $0xFFFFF086;
	s6 =	sadd.s32 @!p0 s3, s7;
	s7 =	simm.s32 @!p0 $0x108  }
0x21: {  	s3 =	sadd.s32 s3, s9;
	s6 =	sadd.s32 @!p0 $0x88, s6;
	s7 =	simm.s32 @p2 $0x1082  }
0x22: {  	[simem:s7], [sflag:s8] =	dma.local @!p0 [hbm:s6], $0xF7A  }
0x23: {  	s9 =	sor.u32 $0xD0000000, s2;
	s6 =	simm.s32 $0x108;
	_ =	swait.ge @!p0 [sflag:s8], $0x0  }
0x24: {  	s3 =	sadd.s32 $0x88, s3;
	s6 =	simm.s32 @!p1 $0x1082;
	[sflag:s4] =	ssyncset.s32 $0xFFFFF086  }
0x25: {  	[simem:s6], [sflag:s4] =	dma.local [hbm:s3], $0xF7A  }
0x26: {  	[smem:$0x3F8F] =	sst s1;
	(tag) =	ssettag s2;
	_ =	strace s9  }
0x27: {  	s1 =	sld [smem:$0x3F9F]  }
0x28: {  	s2 =	sld [smem:$0x3FA0]  }
0x29: {  	s4 =	sld [smem:$0x3FA2]  }
0x2a: {  	p0 =	seq.s32 s5, $0x0;
	s5 =	sld [smem:$0x3FA3]  }
0x2b: {  	s6 =	sld [smem:$0x3FA4]  }
0x2c: {  	s7 =	sld [smem:$0x3FA5]  }
0x2d: {  	s3 =	simm.s32 $0x108;
	s8 =	sld [smem:$0x3FA6]  }
0x2e: {  	s3 =	simm.s32 @!p0 $0x1082;
	s9 =	sld [smem:$0x3FA7]  }
0x2f: {  	lr =	sadd.s32 s0, s3;
	s0 =	sld [smem:$0x3F9E]  }
0x30: {  	s3 =	sld [smem:$0x3FA1]  }
0x31: {  	[smem:$0x3FAA] =	sst s10  }
0x32: {  	s10 =	sld [smem:$0x3FA8];
	_ =	sdelay $0x3  }
0x33: {  	p0 =	seq.s32 s10, $0x1;
	s10 =	sld [smem:$0x3FAA];
	_ =	sdelay $0x3  }
0x34: {  	[smem:$0x3FAA] =	sst s10  }
0x35: {  	s10 =	sld [smem:$0x3FA9];
	_ =	sdelay $0x3  }
0x36: {  	p1 =	seq.s32 s10, $0x1;
	s10 =	sld [smem:$0x3FAA];
	_ =	sdelay $0x3  }
0x37: {  	[smem:$0x3FAA] =	sst s10  }
0x38: {  	s10 =	sld [smem:$0x3FAB]  }
0x39: {  	_ = 	snop;
	(pc) =	sbr.ind lr, $3  }
0x3a: {  	_ = 	snop  }
0x3b: {  	_ = 	snop  }
0x3c: {  	p2 =	seq.s32 s10, $0x1;
	s10 =	sld [smem:$0x3FAA]  }
0x3d: {  	_ =	shalt  }
0x3e: {  	_ =	shalt  }
0x3f: {  	_ =	shalt  }
0x40: {  	_ =	shalt  }
0x41: {  	_ =	shalt  }
0x42: {  	_ =	shalt  }
0x43: {  	_ =	shalt  }
0x44: {  	_ =	shalt  }
0x45: {  	_ =	shalt  }
0x46: {  	_ =	shalt  }
0x47: {  	_ =	shalt  }
0x48: {  	_ =	shalt  }
0x49: {  	_ =	shalt  }
0x4a: {  	_ =	shalt  }
0x4b: {  	_ =	shalt  }
0x4c: {  	_ =	shalt  }
0x4d: {  	_ =	shalt  }
0x4e: {  	_ =	shalt  }
0x4f: {  	_ =	shalt  }
0x50: {  	_ =	shalt  }
0x51: {  	_ =	shalt  }
0x52: {  	_ =	shalt  }
0x53: {  	_ =	shalt  }
0x54: {  	_ =	shalt  }
0x55: {  	_ =	shalt  }
0x56: {  	_ =	shalt  }
0x57: {  	_ =	shalt  }
0x58: {  	_ =	shalt  }
0x59: {  	_ =	shalt  }
0x5a: {  	_ =	shalt  }
0x5b: {  	_ =	shalt  }
0x5c: {  	_ =	shalt  }
0x5d: {  	_ =	shalt  }
0x5e: {  	_ =	shalt  }
0x5f: {  	_ =	shalt  }
0x60: {  	_ =	shalt  }
0x61: {  	_ =	shalt  }
0x62: {  	_ =	shalt  }
0x63: {  	_ =	shalt  }
0x64: {  	_ =	shalt  }
0x65: {  	_ =	shalt  }
0x66: {  	_ =	shalt  }
0x67: {  	_ =	shalt  }
0x68: {  	_ =	shalt  }
0x69: {  	_ =	shalt  }
0x6a: {  	_ =	shalt  }
0x6b: {  	_ =	shalt  }
0x6c: {  	_ =	shalt  }
0x6d: {  	_ =	shalt  }
0x6e: {  	_ =	shalt  }
0x6f: {  	_ =	shalt  }
0x70: {  	_ =	shalt  }
0x71: {  	_ =	shalt  }
0x72: {  	_ =	shalt  }
0x73: {  	_ =	shalt  }
0x74: {  	_ =	shalt  }
0x75: {  	_ =	shalt  }
0x76: {  	_ =	shalt  }
0x77: {  	_ =	shalt  }
0x78: {  	_ =	shalt  }
0x79: {  	_ =	shalt  }
0x7a: {  	_ =	shalt  }
0x7b: {  	_ =	shalt  }
0x7c: {  	_ =	shalt  }
0x7d: {  	_ =	shalt  }
0x7e: {  	_ =	shalt  }
0x7f: {  	_ =	shalt  }
0x80: {  	_ =	shalt  }
0x81: {  	_ =	shalt  }
0x82: {  	_ =	shalt  }
0x83: {  	_ =	shalt  }
0x84: {  	_ =	shalt  }
0x85: {  	_ =	shalt  }
0x86: {  	_ =	shalt  }
0x87: {  	_ =	shalt  }
.Lfunc_end0:
.L_simem_size_0:
called_computation.2_lowered:
.L_overlay_start_0:
0x88: {  	s2 =	sld [smem:$0x3FD9]  }
0x89: {  	s3 =	sld [smem:$0x3FFE];
	_ =	sdelay $0x1  }
0x8a: {  	s1 =	srdreg.scid  }
0x8b: {  	s0 =	sand.u32 $0x1, s1  }
0x8c: {  	s16 =	sshll.u32 s0, $0xA;
	s2 =	sadd.s32 s3, s2  }
0x8d: {  	s2 =	sadd.s32 s2, s16  }
0x8e: {  	[smem:$0x3FB6] =	sst s2  }
0x8f: {  	_ = 	snop  }
0x90: {  	(tm) =	ssettm $0x1  }
0x91: {  	s17 =	sld [smem:$0x3FFB];
	_ =	sdelay $0x3  }
0x92: {  	_ =	strace s17  }
0x93: {  	s2 =	sld [smem:$0x3FFC];
	_ =	sdelay $0x3  }
0x94: {  	_ =	strace s2  }
0x95: {  	s2 =	sld [smem:$0x3FFD];
	_ =	sdelay $0x3  }
0x96: {  	_ =	strace s2  }
0x97: {  	_ =	strace $0x8FFFFFFF  }
0x98: {  	s18 =	sld [smem:$0x3FDB];
	_ =	sdelay $0x1  }
0x99: {  	s19 =	simm.s32 $_scs_section_size  }
0x9a: {  	s4 =	simm.s32 $_size__tile_overlayer_lowered;
	s5 =	simm.s32 $_tile_overlayer_lowered  }
0x9b: {  	s22 =	simm.s32 $0x1BFF;
	s21 =	sshll.u32 s5, $0x1;
	s2 =	sadd.s32 s19, s18  }
0x9c: {  	s6 =	simm.s32 $0x0;
	s20 =	sshll.u32 s4, $0x1;
	s4 =	sadd.s32 s21, s2  }
0x9d: {  	[timem:s6], [sflag:s22] =	dma.local [hbm:s4], s20  }
0x9e: {  	_ =	swait.ge [sflag:s22], s20  }
0x9f: {  	s3 =	ssub.s32 $0x0, s20;
	[sflag:s22] =	ssyncset.done $0x0  }
0xa0: {  	[sflag:s22] =	ssyncadd.s32 s3;
	_ =	sdelay $0x1  }
0xa1: {  	s23 =	simm.s32 $0x1B8B  }
0xa2: {  	_ =	swait.ge [sflag:s23], $0x1  }
0xa3: {  	[sflag:s23] =	ssyncset.done $0x0  }
0xa4: {  	s25 =	simm.s32 $0x1B8E;
	s24 =	sld [smem:$0x3FFE];
	[sflag:s23] =	ssyncadd.s32 $0xFFFFFFFF  }
0xa5: {  	s26 =	simm.s32 $execute0_lowered;
	[smem:$0x3FD2] =	sst s25  }
0xa6: {  	s4 =	sshll.u32 s26, $0x1;
	_ =	strace $0x80000046;
	[dreg:$0x1] =	wrdreg $0xFFFFFFFF  }
0xa7: {  	s28 =	simm.s32 $_size_execute0_lowered;
	s2 =	sadd.s32 s2, s4;
	[dreg:$0x0] =	wrdreg $0x0  }
0xa8: {  	s4 =	sshll.u32 s28, $0x1;
	[dreg:$0x2] =	wrdreg s2  }
0xa9: {  	[dreg:$0x3] =	wrdreg s4  }
0xaa: {  	[dreg:$0x4] =	wrdreg $0xC0  }
0xab: {  	_ =	task [dreg:s6], $0x5FFFF  }
0xac: {  	[dreg:$0x1] =	wrdreg $0xFFFFFFFF  }
0xad: {  	[dreg:$0x0] =	wrdreg $0x60  }
0xae: {  	[dreg:$0x2] =	wrdreg s24  }
0xaf: {  	[dreg:$0x3] =	wrdreg $0x9  }
0xb0: {  	_ =	task.clear_ibuf [dreg:s6], $0x4FFFF;
	_ =	strace $0x90000046  }
0xb1: {  	s29 =	simm.s32 $0x9;
	_ =	strace $0x80000048  }
0xb2: {  	_ =	swait.ge [sflag:s29], $0x1  }
0xb3: {  	[sflag:s29] =	ssyncadd.s32 $0xFFFFFFFF  }
0xb4: {  	_ =	strace $0x90000048  }
0xb5: {  	_ =	sfence  }
0xb6: {  	s30 =	sld [smem:$0x0];
	_ =	sdelay $0x2  }
0xb7: {  	s31 =	sshll.u32 s1, $0xD;
	s1 =	sshrl.u32 s1, $0x2  }
0xb8: {  	s3 =	sand.u32 $0x4000, s31;
	s1 =	sadd.s32 s1, s30  }
0xb9: {  	s0 =	sor.u32 s3, s0;
	s1 =	sshll.u32 s1, $0x11  }
0xba: {  	s0 =	sor.u32 s1, s0  }
0xbb: {  	s0 =	sadd.s32 $0x8F2B, s0  }
0xbc: {  	[sflag:s0] =	ssyncadd.remote.s32 $0x1  }
0xbd: {  	_ =	sfence.sel $0xFFFF  }
0xbe: {  	[dreg:$0x0] =	wrdreg $0xFFFFFFFF;
	(pc) =	sbr.abs _section_cstart, $3  }
0xbf: {  	[dreg:$0x1] =	wrdreg $0xFFFFFFFF  }
0xc0: {  	_ =	task.clear_ibuf [dreg:s6], $0x2FFFF;
	_ =	strace $0x9FFFFFFF  }
0xc1: {  	(tm) =	ssettm $0x7FFFFFFF  }
tec
execute0_lowered:
.L_overlay_start_1:
0x0: {  	(tag) =	ssettag $0x1  }
0x1: {  	s0 =	srdreg.scid;
	s5 =	rddreg [dreg:$0x0]  }
0x2: {  	s1 =	stileid.u32;
	s6 =	simm.s32 $0x1;
	s9 =	simm.s32 $0x1  }
0x3: {  	s10 =	simm.s32 $0x3;
	s13 =	simm.s32 $0x0;
	s2 =	sshll.u32 s0, $0x6  }
0x4: {  	s12 =	simm.s32 $0x0;
	s3 =	sshll.u32 s1, $0x7;
	s2 =	sand.u32 $0x40, s2  }
0x5: {  	s0 =	rddreg [dreg:$0x1];
	_ =	strace $0x80000047;
	s2 =	sor.u32 s3, s2  }
0x6: {  	s4 =	sadd.s32 $0x52600, s5;
	[sflag:s6] =	ssyncpa.u1 $0x0;
	s8 =	ssub.s32 $0x1000, s2  }
.Ltmp0:
0x7: {  	s3 =	sadd.s32 $0x51400, s5;
	s7 =	sand.u32 $0x7C0, s8;
	(pc) =	sbr.rel .LBB2_1-.Ltmp0, $4  }
0x8: {  	s5 =	sadd.s32 $0x52800, s5;
	s11 =	smov.u32 s2;
	p0 =	sne.s32 s7, $0x0  }
0x9: {  	s8 =	sshrl.u32 s8, $0xB;
	s7 =	simm.s32 $0x2;
	s9 =	simm.s32 @!p0 $0x0  }
0xa: {  	[sflag:s7] =	ssyncpa.u1 $0x0;
	p0 =	por $0x0, $0x0;
	s8 =	sadd.s32 s9, s8  }
0xb: {  	vm0 =	vmmov $0xffff;
	[sflag:s10] =	ssyncpa.u1 $0x0;
	s10 =	simm.s32 $0x0;
	s9 =	sadd.s32 $0x1, s8  }
.LBB2_4:
0xc: {  	v1 =	vsel vm1, $0xFFFFFFFF, v1;
	v2 =	vand.u32 $0x7, v2  }
0xd: {  	v2 =	vsel vm1, $0xFFFFFFFF, v2;
	v3 =	vshll.u32 v1, $0x3  }
0xe: {  	v4 =	vand.u32 $0xFFFF8000, v2;
	v3 =	vand.u32 $0xFFFFFC00, v3;
	v2 =	vshll.u32 v2, $0x7  }
0xf: {  	v3 =	vadd.s32 v3, v4;
	v2 =	vand.u32 $0x380, v2  }
0x10: {  	v1 =	vand.u32 $0x7F, v1;
	v2 =	vor.u32 v2, v3  }
0x11: {  	v1 =	vor.u32 v1, v2;
	_ =	sdelay $0x1  }
0x12: {  	(ifvalue) =	ssetifvalue $0x7FFFFFFF;
	s15 =	sadd.s32 $0x10, s15  }
0x13: {  	[tilespmem:s15], [sflag:$0x1] =	stream.indirect_vreg.gather [hbm4b:s3+s10], $0x1, v0, vm0, $0x4038;
	[tilespmem:$0x100] =	vst v63  }
0x14: {  	(ifvalue) =	ssetifvalue $0x7FFFFFFF;
	s15 =	sadd.s32 $0x10, s15  }
0x15: {  	[tilespmem:s15], [sflag:$0x1] =	stream.indirect_vreg.gather [hbm4b:s3+s10], $0x1, v1, vm0, $0x4038;
	[tilespmem:$0x100] =	vst v63  }
0x16: {  	_ =	swait.ge [sflag:s6], $0x40  }
0x17: {  	s30 =	sshrl.u32 s13, $0x3;
	[sflag:s6] =	ssyncset.done $0x0  }
0x18: {  	s31 =	sand.u32 $0x7, s13;
	s15 =	sadd.s32 s5, s30;
	[sflag:s6] =	ssyncadd.s32 $0xFFFFFFC0  }
0x19: {  	[hbm4b:s15+s31] =	stream.linear.scatter [tilespmem:s14], [sflag:$0x3], $0x40, $0x38;
	[tilespmem:$0x100] =	vst v63  }
.LBB2_5:
0x1a: {  	s15 =	sadd.s32 $0x800, s11  }
0x1b: {  	p2 =	sgt.s32 s15, $0xFFF  }
0x1c: {  	s15 =	smov.u32 @p2 s2;
	p2 =	sne.s32 s12, s9  }
.Ltmp1:
0x1d: {  	p1 =	slt.u32 s12, $0x2;
	(pc) =	sbr.rel @!p2 .LBB2_6-.Ltmp1, $4  }
0x1e: {  	s14 =	simm.s32 @!p1 $0x3  }
0x1f: {  	s16 =	sadd.s32 $0x1, s12;
	_ =	swait.ge @!p1 [sflag:s14], $0x40  }
0x20: {  	s13 =	smov.u32 s11;
	p0 =	por !p0, !p0;
	[sflag:s14] =	ssyncset.done @!p1 $0x0  }
0x21: {  	s12 =	smov.u32 s16;
	s11 =	smov.u32 s15;
	[sflag:s14] =	ssyncadd.s32 @!p1 $0xFFFFFFC0  }
.LBB2_1:
0x22: {  	p1 =	sge.u32 s12, s8  }
0x23: {  	s14 =	sxor.u32 @!p1 $0xFFFFFFFF, s12  }
0x24: {  	s31 =	sadd.s32 $0xFFFFFFFF, s12;
	s15 =	sshrl.u32 @!p1 s11, $0x3;
	s14 =	sshll.u32 @!p1 s14, $0x6  }
0x25: {  	s16 =	sand.u32 @!p1 $0x7, s11;
	s15 =	sadd.s32 @!p1 s4, s15;
	s14 =	sand.u32 @!p1 $0x40, s14  }
0x26: {  	[tilespmem:s14], [sflag:$0x2] =	stream.linear.gather @!p1 [hbm4b:s15+s16], $0x40, $0x38;
	[tilespmem:$0x100] =	vst v63  }
0x27: {  	p1 =	sge.u32 s31, s8  }
.Ltmp2:
0x28: {  	_ = 	snop;
	(pc) =	sbr.rel @p1 .LBB2_5-.Ltmp2, $1  }
0x29: {  	_ =	sdelay $0x3  }
0x2a: {  	s14 =	simm.s32 $0x1  }
0x2b: {  	_ =	swait.ge [sflag:s7], $0x40;
	s14 =	simm.s32 @!p0 $0x0  }
0x2c: {  	[sflag:s7] =	ssyncset.done $0x0;
	s14 =	sshll.u32 s14, $0x6  }
0x2d: {  	[sflag:s7] =	ssyncadd.s32 $0xFFFFFFC0;
	(ifvalue) =	ssetifvalue $0x7FFFFFFF;
	v0 =	vld.msk [tilespmem:s14+$0x0 ss:$0x1], $0xffff;
	_ =	sdelay $0x3  }
0x2e: {  	s15 =	sadd.s32 $0x10, s14  }
0x2f: {  	v2 =	vld.msk [tilespmem:s15+$0x0 ss:$0x1], $0xffff;
	vm1 =	veq.s32 v0, $0x80000000;
	v1 =	vand.u32 $0xFFF, v0;
	v0 =	vshrl.u32 v0, $0xC  }
0x30: {  	v1 =	vsel vm1, $0xFFFFFFFF, v1;
	v0 =	vand.u32 $0x7, v0  }
0x31: {  	v0 =	vsel vm1, $0xFFFFFFFF, v0;
	v3 =	vshll.u32 v1, $0x3  }
0x32: {  	v4 =	vand.u32 $0xFFFF8000, v0;
	v3 =	vand.u32 $0xFFFFFC00, v3;
	v0 =	vshll.u32 v0, $0x7  }
0x33: {  	v3 =	vadd.s32 v3, v4;
	v0 =	vand.u32 $0x380, v0  }
0x34: {  	v1 =	vand.u32 $0x7F, v1;
	vm1 =	veq.s32 v2, $0x80000000;
	v0 =	vor.u32 v0, v3  }
0x35: {  	v0 =	vor.u32 v1, v0;
	v1 =	vand.u32 $0xFFF, v2;
	v2 =	vshrl.u32 v2, $0xC  }
0x36: {  	s17 =	sadd.s32 $0x10, s15;
	v1 =	vsel vm1, $0xFFFFFFFF, v1;
	v2 =	vand.u32 $0x7, v2  }
0x37: {  	v3 =	vld.msk [tilespmem:s17+$0x0 ss:$0x1], $0xffff;
	v2 =	vsel vm1, $0xFFFFFFFF, v2;
	v63 =	vshll.u32 v1, $0x3  }
0x38: {  	v5 =	vand.u32 $0xFFFF8000, v2;
	v4 =	vand.u32 $0xFFFFFC00, v63;
	v2 =	vshll.u32 v2, $0x7  }
0x39: {  	s31 =	sshll.u32 s12, $0x6;
	s15 =	sor.u32 $0x80, s14;
	(ifvalue) =	ssetifvalue $0x7FFFFFFF;
	v4 =	vadd.s32 v4, v5;
	v2 =	vand.u32 $0x380, v2  }
0x3a: {  	[tilespmem:s15], [sflag:$0x1] =	stream.indirect_vreg.gather [hbm4b:s3+s10], $0x1, v0, vm0, $0x4038;
	v0 =	vand.u32 $0x7F, v1;
	v1 =	vor.u32 v2, v4;
	[tilespmem:$0x100] =	vst v63  }
0x3b: {  	s14 =	sand.u32 $0x40, s31;
	v0 =	vor.u32 v0, v1  }
0x3c: {  	s16 =	simm.s32 $0x20;
	s14 =	sor.u32 $0x80, s14;
	s17 =	sadd.s32 $0x10, s17;
	vm1 =	veq.s32 v3, $0x80000000;
	v2 =	vshrl.u32 v3, $0xC;
	v1 =	vand.u32 $0xFFF, v3  }
.LBB2_3:
0x3d: {  	v3 =	vld.msk [tilespmem:s17+$0x0 ss:$0x1], $0xffff;
	s16 =	sadd.s32 $0x10, s16;
	v1 =	vsel vm1, $0xFFFFFFFF, v1;
	v2 =	vand.u32 $0x7, v2  }
0x3e: {  	p1 =	slt.u32 s16, $0x30;
	v2 =	vsel vm1, $0xFFFFFFFF, v2;
	v4 =	vshll.u32 v1, $0x3  }
.Ltmp3:
0x3f: {  	s15 =	sadd.s32 $0x10, s15;
	v5 =	vand.u32 $0xFFFF8000, v2;
	v4 =	vand.u32 $0xFFFFFC00, v4;
	v2 =	vshll.u32 v2, $0x7;
	(ifvalue) =	ssetifvalue $0x7FFFFFFF;
	(pc) =	sbr.rel @p1 .LBB2_3-.Ltmp3, $4  }
0x40: {  	v4 =	vadd.s32 v4, v5;
	v2 =	vand.u32 $0x380, v2;
	[tilespmem:s15], [sflag:$0x1] =	stream.indirect_vreg.gather [hbm4b:s3+s10], $0x1, v0, vm0, $0x4038;
	[tilespmem:$0x100] =	vst v63  }
0x41: {  	v0 =	vand.u32 $0x7F, v1;
	v1 =	vor.u32 v2, v4  }
0x42: {  	v0 =	vor.u32 v0, v1  }
0x43: {  	s17 =	sadd.s32 $0x10, s17;
	vm1 =	veq.s32 v3, $0x80000000;
	v1 =	vand.u32 $0xFFF, v3;
	v2 =	vshrl.u32 v3, $0xC  }
.Ltmp4:
0x44: {  	_ = 	snop;
	(pc) =	sbr.rel .LBB2_4-.Ltmp4, $1  }
0x45: {  	_ =	sdelay $0x3  }
.LBB2_6:
0x46: {  	_ =	sfence.sel $0x180000  }
0x47: {  	s2 =	simm.s32 $0x2;
	[bflag:$0x0] =	sbarrier.arrive $0xFFFF  }
0x48: {  	s30 =	simm.s32 $0x3;
	[sflag:s2] =	ssyncpa.u1 $0x1  }
0x49: {  	s31 =	simm.s32 $0x1;
	[sflag:s30] =	ssyncpa.u1 $0x1  }
0x4a: {  	[sflag:s31] =	ssyncpa.u1 $0x1  }
0x4b: {  	p0 =	sne.s32 s1, $0x0;
	_ =	strace $0x90000047  }
0x4c: {  	s0 =	sadd.s32 @!p0 $0x100000, s0;
	[bflag:$0x2] =	sbarrier.arrive $0xFFFF  }
0x4d: {  	[sflag:s0] =	ssyncadd.tile.s32 @!p0 $0x1;
	_ =	shalt  }
.Lfunc_end2:
_tile_overlayer_lowered:
.L_overlay_start_2:
0x4e: {  	(tag) =	ssettag $0x2  }
0x4f: {  	s0 =	rddreg [dreg:$0x0];
	s2 =	stileid.u32  }
0x50: {  	s1 =	rddreg [dreg:$0x1];
	p0 =	sne.s32 s2, $0x0  }
0x51: {  	s3 =	rddreg [dreg:$0x2];
	[bflag:$0x3] =	sbarrier.arrive $0xFFFF;
	s2 =	simm.s32 @!p0 $0x1C01  }
0x52: {  	[timem:s3], [sflag:s2] =	dma.local @!p0 [hbm:s0], s1  }
0x53: {  	s0 =	simm.s32 @!p0 $0x1  }
0x54: {  	_ =	swait.ge @!p0 [sflag:s0], s1  }
0x55: {  	s1 =	ssub.s32 @!p0 $0x0, s1;
	[sflag:s0] =	ssyncset.done @!p0 $0x0  }
0x56: {  	[sflag:s0] =	ssyncadd.s32 @!p0 s1  }
0x57: {  	[bflag:$0x3] =	sbarrier.arrive $0xFFFF  }
0x58: {  	_ =	shalt  }

// kernel: gather_offload_async_start
scs
__scs_entry_jumppad:
0x0: {  	(pc) =	sbr.rel $0x88, $3  }
0x1: {  	(tag) =	ssettag $0x0;
	lr =	simm.s32 $0x1  }
0x2: {  	[smem:$0x3F8F] =	sst lr;
	_ =	strace $0xD0000000  }
0x3: {  	_ = 	snop  }
0x4: {  	_ = 	snop  }
0x5: {  	_ = 	snop  }
0x6: {  	_ = 	snop  }
0x7: {  	_ = 	snop  }
__scs_overlays_trampoline_lowered:
0x8: {  	[smem:$0x3F9E] =	sst s0  }
0x9: {  	[smem:$0x3F9F] =	sst s1  }
0xa: {  	[smem:$0x3FA0] =	sst s2  }
0xb: {  	[smem:$0x3FA1] =	sst s3  }
0xc: {  	[smem:$0x3FA2] =	sst s4  }
0xd: {  	[smem:$0x3FA3] =	sst s5  }
0xe: {  	[smem:$0x3FA4] =	sst s6  }
0xf: {  	[smem:$0x3FA5] =	sst s7  }
0x10: {  	[smem:$0x3FA6] =	sst s8  }
0x11: {  	[smem:$0x3FA7] =	sst s9;
	s0 =	simm.s32 @!p0 $0x0  }
0x12: {  	s1 =	sld [smem:$0x3F8D];
	s0 =	simm.s32 @p0 $0x1  }
0x13: {  	[smem:$0x3FA8] =	sst s0;
	s0 =	simm.s32 @!p1 $0x0  }
0x14: {  	s2 =	sld [smem:$0x3F8C];
	s0 =	simm.s32 @p1 $0x1  }
0x15: {  	[smem:$0x3FA9] =	sst s0;
	s0 =	simm.s32 @!p2 $0x0  }
0x16: {  	s3 =	sld [smem:$0x3FDB];
	s0 =	simm.s32 @p2 $0x1  }
0x17: {  	s4 =	simm.s32 $0x1BF5;
	[smem:$0x3FAB] =	sst s0  }
0x18: {  	s0 =	sld [smem:$0x3F8E];
	_ =	swait.ge [sflag:s4], $0x0  }
0x19: {  	s7 =	sld [smem:$0x3F8F]  }
0x1a: {  	s8 =	sadd.s32 $0xFFFFE003, lr  }
0x1b: {  	s9 =	sadd.s32 $0xFFFFFEF7, lr;
	s5 =	simm.s32 $0xFFFFFFFF;
	p2 =	slt.u32 s8, $0xFFFFF086  }
0x1c: {  	p1 =	slt.u32 s9, $0xF7A;
	s5 =	simm.s32 @!p2 $0x0  }
0x1d: {  	s5 =	simm.s32 @p1 $0x1;
	p0 =	seq.s32 s7, s2  }
0x1e: {  	s7 =	smul.u32 @!p0 $0xF7A, s2;
	p2 =	seq.s32 @!p0 s5, $0x0  }
0x1f: {  	s9 =	smul.u32 $0xF7A, s1;
	s8 =	simm.s32 @!p0 $0x1BF5;
	p2 =	por !p2, p0  }
0x20: {  	[sflag:s8] =	ssyncset.s32 @!p0 $0xFFFFF086;
	s6 =	sadd.s32 @!p0 s3, s7;
	s7 =	simm.s32 @!p0 $0x108  }
0x21: {  	s3 =	sadd.s32 s3, s9;
	s6 =	sadd.s32 @!p0 $0x88, s6;
	s7 =	simm.s32 @p2 $0x1082  }
0x22: {  	[simem:s7], [sflag:s8] =	dma.local @!p0 [hbm:s6], $0xF7A  }
0x23: {  	s9 =	sor.u32 $0xD0000000, s2;
	s6 =	simm.s32 $0x108;
	_ =	swait.ge @!p0 [sflag:s8], $0x0  }
0x24: {  	s3 =	sadd.s32 $0x88, s3;
	s6 =	simm.s32 @!p1 $0x1082;
	[sflag:s4] =	ssyncset.s32 $0xFFFFF086  }
0x25: {  	[simem:s6], [sflag:s4] =	dma.local [hbm:s3], $0xF7A  }
0x26: {  	[smem:$0x3F8F] =	sst s1;
	(tag) =	ssettag s2;
	_ =	strace s9  }
0x27: {  	s1 =	sld [smem:$0x3F9F]  }
0x28: {  	s2 =	sld [smem:$0x3FA0]  }
0x29: {  	s4 =	sld [smem:$0x3FA2]  }
0x2a: {  	p0 =	seq.s32 s5, $0x0;
	s5 =	sld [smem:$0x3FA3]  }
0x2b: {  	s6 =	sld [smem:$0x3FA4]  }
0x2c: {  	s7 =	sld [smem:$0x3FA5]  }
0x2d: {  	s3 =	simm.s32 $0x108;
	s8 =	sld [smem:$0x3FA6]  }
0x2e: {  	s3 =	simm.s32 @!p0 $0x1082;
	s9 =	sld [smem:$0x3FA7]  }
0x2f: {  	lr =	sadd.s32 s0, s3;
	s0 =	sld [smem:$0x3F9E]  }
0x30: {  	s3 =	sld [smem:$0x3FA1]  }
0x31: {  	[smem:$0x3FAA] =	sst s10  }
0x32: {  	s10 =	sld [smem:$0x3FA8];
	_ =	sdelay $0x3  }
0x33: {  	p0 =	seq.s32 s10, $0x1;
	s10 =	sld [smem:$0x3FAA];
	_ =	sdelay $0x3  }
0x34: {  	[smem:$0x3FAA] =	sst s10  }
0x35: {  	s10 =	sld [smem:$0x3FA9];
	_ =	sdelay $0x3  }
0x36: {  	p1 =	seq.s32 s10, $0x1;
	s10 =	sld [smem:$0x3FAA];
	_ =	sdelay $0x3  }
0x37: {  	[smem:$0x3FAA] =	sst s10  }
0x38: {  	s10 =	sld [smem:$0x3FAB]  }
0x39: {  	_ = 	snop;
	(pc) =	sbr.ind lr, $3  }
0x3a: {  	_ = 	snop  }
0x3b: {  	_ = 	snop  }
0x3c: {  	p2 =	seq.s32 s10, $0x1;
	s10 =	sld [smem:$0x3FAA]  }
0x3d: {  	_ =	shalt  }
0x3e: {  	_ =	shalt  }
0x3f: {  	_ =	shalt  }
0x40: {  	_ =	shalt  }
0x41: {  	_ =	shalt  }
0x42: {  	_ =	shalt  }
0x43: {  	_ =	shalt  }
0x44: {  	_ =	shalt  }
0x45: {  	_ =	shalt  }
0x46: {  	_ =	shalt  }
0x47: {  	_ =	shalt  }
0x48: {  	_ =	shalt  }
0x49: {  	_ =	shalt  }
0x4a: {  	_ =	shalt  }
0x4b: {  	_ =	shalt  }
0x4c: {  	_ =	shalt  }
0x4d: {  	_ =	shalt  }
0x4e: {  	_ =	shalt  }
0x4f: {  	_ =	shalt  }
0x50: {  	_ =	shalt  }
0x51: {  	_ =	shalt  }
0x52: {  	_ =	shalt  }
0x53: {  	_ =	shalt  }
0x54: {  	_ =	shalt  }
0x55: {  	_ =	shalt  }
0x56: {  	_ =	shalt  }
0x57: {  	_ =	shalt  }
0x58: {  	_ =	shalt  }
0x59: {  	_ =	shalt  }
0x5a: {  	_ =	shalt  }
0x5b: {  	_ =	shalt  }
0x5c: {  	_ =	shalt  }
0x5d: {  	_ =	shalt  }
0x5e: {  	_ =	shalt  }
0x5f: {  	_ =	shalt  }
0x60: {  	_ =	shalt  }
0x61: {  	_ =	shalt  }
0x62: {  	_ =	shalt  }
0x63: {  	_ =	shalt  }
0x64: {  	_ =	shalt  }
0x65: {  	_ =	shalt  }
0x66: {  	_ =	shalt  }
0x67: {  	_ =	shalt  }
0x68: {  	_ =	shalt  }
0x69: {  	_ =	shalt  }
0x6a: {  	_ =	shalt  }
0x6b: {  	_ =	shalt  }
0x6c: {  	_ =	shalt  }
0x6d: {  	_ =	shalt  }
0x6e: {  	_ =	shalt  }
0x6f: {  	_ =	shalt  }
0x70: {  	_ =	shalt  }
0x71: {  	_ =	shalt  }
0x72: {  	_ =	shalt  }
0x73: {  	_ =	shalt  }
0x74: {  	_ =	shalt  }
0x75: {  	_ =	shalt  }
0x76: {  	_ =	shalt  }
0x77: {  	_ =	shalt  }
0x78: {  	_ =	shalt  }
0x79: {  	_ =	shalt  }
0x7a: {  	_ =	shalt  }
0x7b: {  	_ =	shalt  }
0x7c: {  	_ =	shalt  }
0x7d: {  	_ =	shalt  }
0x7e: {  	_ =	shalt  }
0x7f: {  	_ =	shalt  }
0x80: {  	_ =	shalt  }
0x81: {  	_ =	shalt  }
0x82: {  	_ =	shalt  }
0x83: {  	_ =	shalt  }
0x84: {  	_ =	shalt  }
0x85: {  	_ =	shalt  }
0x86: {  	_ =	shalt  }
0x87: {  	_ =	shalt  }
.Lfunc_end0:
.L_simem_size_0:
called_computation_lowered:
.L_overlay_start_0:
0x88: {  	s2 =	sld [smem:$0x3FD9]  }
0x89: {  	s3 =	sld [smem:$0x3FFE];
	_ =	sdelay $0x1  }
0x8a: {  	s1 =	srdreg.scid  }
0x8b: {  	s0 =	sand.u32 $0x1, s1  }
0x8c: {  	s17 =	sshll.u32 s0, $0xA;
	s2 =	sadd.s32 s3, s2  }
0x8d: {  	s2 =	sadd.s32 s2, s17  }
0x8e: {  	[smem:$0x3FB6] =	sst s2  }
0x8f: {  	_ = 	snop  }
0x90: {  	(tm) =	ssettm $0x1  }
0x91: {  	s18 =	sld [smem:$0x3FFB];
	_ =	sdelay $0x3  }
0x92: {  	_ =	strace s18  }
0x93: {  	s2 =	sld [smem:$0x3FFC];
	_ =	sdelay $0x3  }
0x94: {  	_ =	strace s2  }
0x95: {  	s2 =	sld [smem:$0x3FFD];
	_ =	sdelay $0x3  }
0x96: {  	_ =	strace s2  }
0x97: {  	_ =	strace $0x8FFFFFFF  }
0x98: {  	s19 =	sld [smem:$0x3FDB];
	_ =	sdelay $0x1  }
0x99: {  	s20 =	simm.s32 $_scs_section_size  }
0x9a: {  	s4 =	simm.s32 $_size__tile_overlayer_lowered;
	s5 =	simm.s32 $_tile_overlayer_lowered  }
0x9b: {  	s6 =	simm.s32 $0x1BFF;
	s21 =	sshll.u32 s5, $0x1;
	s3 =	sadd.s32 s20, s19  }
0x9c: {  	s22 =	simm.s32 $0x0;
	s4 =	sshll.u32 s4, $0x1;
	s5 =	sadd.s32 s21, s3  }
0x9d: {  	[timem:s22], [sflag:s6] =	dma.local [hbm:s5], s4  }
0x9e: {  	_ =	swait.ge [sflag:s6], s4  }
0x9f: {  	s4 =	ssub.s32 $0x0, s4;
	[sflag:s6] =	ssyncset.done $0x0  }
0xa0: {  	[sflag:s6] =	ssyncadd.s32 s4;
	_ =	sdelay $0x1  }
0xa1: {  	s23 =	simm.s32 $0x1B8B  }
0xa2: {  	_ =	swait.ge [sflag:s23], $0x1  }
0xa3: {  	[sflag:s23] =	ssyncset.done $0x0  }
0xa4: {  	[sflag:s23] =	ssyncadd.s32 $0xFFFFFFFF  }
0xa5: {  	s4 =	sld [smem:$0x0]  }
0xa6: {  	s5 =	sand.u32 $0xFFFFFFFE, s1  }
0xa7: {  	p0 =	sne.s32 s1, s5  }
0xa8: {  	s5 =	sshll.u32 @p0 s5, $0xE  }
0xa9: {  	s5 =	sadd.s32 @p0 $0x11B8D, s5;
	s6 =	sshll.u32 @p0 s4, $0x11  }
0xaa: {  	s5 =	sor.u32 @p0 s6, s5  }
0xab: {  	[sflag:s5] =	ssyncadd.remote.s32 @p0 $0x1;
	_ =	sdelay $0x1  }
0xac: {  	s5 =	simm.s32 @p0 $0x1B8D  }
0xad: {  	_ =	swait.eq @p0 [sflag:s5], $0x1  }
0xae: {  	[sflag:s5] =	ssyncadd.s32 @p0 $0xFFFFFFFF  }
0xaf: {  	s6 =	sshll.u32 @!p0 s1, $0xE  }
0xb0: {  	s6 =	sor.u32 @!p0 $0x4000, s6;
	s5 =	simm.s32 @!p0 $0x1B8D  }
0xb1: {  	s4 =	sshll.u32 @!p0 s4, $0x11;
	s6 =	sadd.s32 @!p0 $0x11B8D, s6;
	_ =	swait.eq @!p0 [sflag:s5], $0x1  }
0xb2: {  	s4 =	sor.u32 @!p0 s4, s6;
	[sflag:s5] =	ssyncadd.s32 @!p0 $0xFFFFFFFF  }
0xb3: {  	s25 =	simm.s32 $0x1B8E;
	s24 =	sld [smem:$0x3FFE];
	[sflag:s4] =	ssyncadd.remote.s32 @!p0 $0x1  }
0xb4: {  	s26 =	simm.s32 $execute0_lowered;
	[smem:$0x3FD2] =	sst s25  }
0xb5: {  	s5 =	sshll.u32 s26, $0x1;
	_ =	strace $0x8000004C;
	[dreg:$0x1] =	wrdreg $0xFFFFFFFF  }
0xb6: {  	s28 =	simm.s32 $_size_execute0_lowered;
	s3 =	sadd.s32 s3, s5;
	[dreg:$0x0] =	wrdreg $0x0  }
0xb7: {  	s5 =	sshll.u32 s28, $0x1;
	[dreg:$0x2] =	wrdreg s3  }
0xb8: {  	[dreg:$0x3] =	wrdreg s5  }
0xb9: {  	[dreg:$0x4] =	wrdreg $0xC0  }
0xba: {  	_ =	task [dreg:s22], $0x5FFFF  }
0xbb: {  	[dreg:$0x1] =	wrdreg $0xFFFFFFFF  }
0xbc: {  	[dreg:$0x0] =	wrdreg $0x60  }
0xbd: {  	[dreg:$0x2] =	wrdreg s24  }
0xbe: {  	[dreg:$0x3] =	wrdreg $0x9  }
0xbf: {  	_ =	task.clear_ibuf [dreg:s22], $0x4FFFF;
	_ =	strace $0x9000004C  }
0xc0: {  	s29 =	simm.s32 $0x9;
	_ =	strace $0x8000004E  }
0xc1: {  	_ =	swait.ge [sflag:s29], $0x1  }
0xc2: {  	[sflag:s29] =	ssyncadd.s32 $0xFFFFFFFF  }
0xc3: {  	_ =	strace $0x9000004E  }
0xc4: {  	_ =	sfence  }
0xc5: {  	s30 =	sld [smem:$0x0];
	_ =	sdelay $0x2  }
0xc6: {  	s31 =	sshll.u32 s1, $0xD;
	s1 =	sshrl.u32 s1, $0x2  }
0xc7: {  	s4 =	sand.u32 $0x4000, s31;
	s1 =	sadd.s32 s1, s30  }
0xc8: {  	s0 =	sor.u32 s4, s0;
	s1 =	sshll.u32 s1, $0x11  }
0xc9: {  	s0 =	sor.u32 s1, s0  }
0xca: {  	s0 =	sadd.s32 $0x8F2B, s0  }
0xcb: {  	[sflag:s0] =	ssyncadd.remote.s32 $0x1  }
0xcc: {  	_ =	sfence.sel $0xFFFF  }
0xcd: {  	[dreg:$0x0] =	wrdreg $0xFFFFFFFF;
	(pc) =	sbr.abs _section_cstart, $3  }
0xce: {  	[dreg:$0x1] =	wrdreg $0xFFFFFFFF  }
0xcf: {  	_ =	task.clear_ibuf [dreg:s22], $0x2FFFF;
	_ =	strace $0x9FFFFFFF  }
0xd0: {  	(tm) =	ssettm $0x7FFFFFFF  }
0xd1: {  	_ =	shalt  }
tec
execute0_lowered:
.L_overlay_start_1:
0x0: {  	(tag) =	ssettag $0x1  }
0x1: {  	s7 =	rddreg [dreg:$0x0]  }
0x2: {  	s0 =	rddreg [dreg:$0x1];
	_ =	strace $0x8000004D  }
0x3: {  	s1 =	srdreg.scid;
	s4 =	simm.s32 $0x1;
	s9 =	simm.s32 $0x3  }
0x4: {  	s11 =	simm.s32 $0x0;
	p0 =	por $0x0, $0x0;
	s5 =	sshll.u32 s1, $0x4  }
.Ltmp0:
0x5: {  	s1 =	stileid.u32;
	s5 =	sand.u32 $0x10, s5;
	(pc) =	sbr.rel .LBB2_1-.Ltmp0, $4  }
0x6: {  	s2 =	sadd.s32 $0x112600, s7;
	s3 =	sadd.s32 $0x51600, s7;
	s6 =	sor.u32 s1, s5  }
0x7: {  	[sflag:s4] =	ssyncpa.u1 $0x0;
	s5 =	simm.s32 $0x2;
	s6 =	sshll.u32 s6, $0x6  }
0x8: {  	s7 =	sadd.s32 $0x52600, s7;
	[sflag:s5] =	ssyncpa.u1 $0x0;
	s8 =	sadd.s32 $0x40, s6  }
0x9: {  	vm0 =	vmmov $0xff;
	vm1 =	vcmask $0x3F20;
	[sflag:s9] =	ssyncpa.u1 $0x0;
	s10 =	smov.u32 s6;
	s9 =	simm.s32 $0x0  }
.LBB2_9:
0xa: {  	p1 =	slt.u32 s9, $0x2;
	s11 =	sadd.s32 $0x20, s10  }
0xb: {  	s13 =	smov.u32 s6;
	s9 =	sadd.s32 $0x1, s9;
	p2 =	slt.s32 s11, s8  }
0xc: {  	s13 =	smov.u32 @p2 s11;
	p2 =	sne.s32 s9, $0x4  }
.Ltmp1:
0xd: {  	_ = 	snop;
	(pc) =	sbr.rel @!p2 .LBB2_10-.Ltmp1, $4  }
0xe: {  	s12 =	simm.s32 @!p1 $0x3  }
0xf: {  	_ =	swait.ge @!p1 [sflag:s12], $0x8000  }
0x10: {  	p0 =	por !p0, !p0;
	[sflag:s12] =	ssyncset.done @!p1 $0x0  }
0x11: {  	s11 =	smov.u32 s10;
	s10 =	smov.u32 s13;
	[sflag:s12] =	ssyncadd.s32 @!p1 $0xFFFF8000  }
.LBB2_1:
0x12: {  	p1 =	sgt.u32 s9, $0x1  }
0x13: {  	s12 =	sshll.u32 @!p1 s9, $0x5;
	s13 =	sshrl.u32 @!p1 s10, $0x3  }
0x14: {  	s14 =	sand.u32 @!p1 $0x7, s10;
	s12 =	sxor.u32 @!p1 $0x20, s12;
	s13 =	sadd.s32 @!p1 s3, s13  }
0x15: {  	[tilespmem:s12], [sflag:$0x2] =	stream.linear.gather @!p1 [hbm4b:s13+s14], $0x20, $0x38;
	[tilespmem:$0x10040] =	vst v63  }
0x16: {  	p1 =	seq.s32 s9, $0x0  }
0x17: {  	p2 =	seq.s32 @!p1 s9, $0x3  }
0x18: {  	p1 =	por p1, p2  }
.Ltmp2:
0x19: {  	_ = 	snop;
	(pc) =	sbr.rel @p1 .LBB2_9-.Ltmp2, $1  }
0x1a: {  	_ =	sdelay $0x3  }
0x1b: {  	s12 =	simm.s32 $0x1  }
0x1c: {  	_ =	swait.ge [sflag:s5], $0x20;
	s13 =	sand.u32 $0x1, s9;
	s12 =	simm.s32 @!p0 $0x0  }
0x1d: {  	s15 =	simm.s32 $0x0;
	p2 =	por $0x1, $0x1;
	s12 =	sshll.u32 s12, $0x11  }
0x1e: {  	[sflag:s5] =	ssyncset.done $0x0;
	s13 =	sshll.u32 s13, $0x5;
	s14 =	sshrl.u32 s12, $0x2  }
0x1f: {  	[sflag:s5] =	ssyncadd.s32 $0xFFFFFFE0;
	s12 =	sor.u32 $0x40, s14;
	s14 =	sadd.s32 $0x40, s14  }
.LBB2_3:
0x20: {  	s16 =	sshll.u32 s15, $0x4  }
0x21: {  	s16 =	sand.u32 $0x3FFFFFF0, s16  }
0x22: {  	s16 =	sadd.s32 s16, s13  }
0x23: {  	v0 =	vld.msk [tilespmem:s16+$0x0 ss:$0x1], $0xffff;
	_ =	sdelay $0x4  }
0x24: {  	vm2 =	vgt.s32 v0, $0x0  }
0x25: {  	v0 =	vnsel vm2, $0x0, v0  }
0x26: {  	v0 =	vmin.u32 v0, $0x17FF  }
0x27: {  	v1 =	vshll.u32 v0, $0x7;
	v0 =	vshll.u32 v0, $0x4  }
0x28: {  	v1 =	vand.u32 $0xFFC00, v1;
	v0 =	vand.u32 $0x70, v0  }
0x29: {  	v0 =	vor.u32 v0, v1  }
0x2a: {  	s31 =	sshll.u32 s15, $0x10  }
0x2b: {  	s15 =	sshra.s32 s31, $0x2  }
0x2c: {  	s15 =	sadd.s32 s15, s14  }
0x2d: {  	s17 =	sadd.s32 $0x0, s15  }
0x2e: {  	[tilespmem:s17], [sflag:$0x1] =	stream.indirect_vreg.gather [hbm:s2], $0x80, v0, vm0, $0x38;
	[tilespmem:$0x10040] =	vst v63  }
0x2f: {  	p1 =	por p2, p2;
	s16 =	simm.s32 $0x1000;
	v1 =	vadd.s32 $0x80, v0;
	s17 =	sadd.s32 $0x2000, s17  }
.LBB2_4:
0x30: {  	[tilespmem:s17], [sflag:$0x1] =	stream.indirect_vreg.gather [hbm:s2], $0x80, v0, vm1, $0x38;
	[tilespmem:$0x10040] =	vst v63  }
0x31: {  	v0 =	vmov v1;
	s17 =	smov.u32 s16;
	p2 =	sne.s32 s16, $0x7000  }
.Ltmp3:
0x32: {  	s16 =	sadd.s32 $0x1000, s16;
	(pc) =	sbr.rel @p2 .LBB2_4-.Ltmp3, $4  }
0x33: {  	s17 =	sshra.s32 s17, $0x2  }
0x34: {  	s17 =	sadd.s32 s17, s15  }
0x35: {  	[tilespmem:s17], [sflag:$0x1] =	stream.indirect_vreg.gather [hbm:s2], $0x80, v1, vm0, $0x38;
	[tilespmem:$0x10040] =	vst v63  }
0x36: {  	s17 =	sadd.s32 $0x2000, s17;
	v1 =	vadd.s32 $0x80, v1  }
0x37: {  	_ = 	snop  }
.Ltmp4:
0x38: {  	_ = 	snop;
	(pc) =	sbr.rel @p1 .LBB2_3-.Ltmp4, $3  }
0x39: {  	_ =	sdelay $0x1  }
0x3a: {  	[tilespmem:s17], [sflag:$0x1] =	stream.indirect_vreg.gather [hbm:s2], $0x80, v0, vm1, $0x38;
	[tilespmem:$0x10040] =	vst v63  }
0x3b: {  	s15 =	simm.s32 $0x1;
	p2 =	por $0x0, $0x0  }
0x3c: {  	s13 =	sshll.u32 s11, $0x7  }
0x3d: {  	s31 =	sshll.u32 s11, $0x4;
	s13 =	sand.u32 $0xFFFFFC00, s13  }
0x3e: {  	_ =	swait.ge [sflag:s4], $0x8000;
	s11 =	sand.u32 $0x70, s31;
	s13 =	sadd.s32 s13, s7  }
0x3f: {  	s14 =	sadd.s32 $0x2000, s12;
	[sflag:s4] =	ssyncset.done $0x0;
	s11 =	sadd.s32 s11, s13  }
0x40: {  	[sflag:s4] =	ssyncadd.s32 $0xFFFF8000;
	s13 =	simm.s32 $0x400;
	s15 =	sadd.s32 $0x0, s11  }
.LBB2_7:
0x41: {  	[hbm:s15] =	stream.linear.scatter [tilespmem:s12], [sflag:$0x3], $0x2000, $0x38;
	[tilespmem:$0x10040] =	vst v63  }
0x42: {  	s15 =	smov.u32 s13;
	s12 =	smov.u32 s14;
	p1 =	sne.s32 s13, $0xC00  }
.Ltmp5:
0x43: {  	s13 =	sadd.s32 $0x400, s13;
	(pc) =	sbr.rel @p1 .LBB2_7-.Ltmp5, $2  }
0x44: {  	_ =	sdelay $0x2  }
0x45: {  	s14 =	sadd.s32 $0x2000, s14;
	s15 =	sadd.s32 s15, s11  }
.Ltmp6:
0x46: {  	(pc) =	sbr.rel .LBB2_9-.Ltmp6, $2  }
0x47: {  	_ =	sdelay $0x2  }
0x48: {  	[hbm:s15] =	stream.linear.scatter [tilespmem:s12], [sflag:$0x3], $0x2000, $0x38;
	[tilespmem:$0x10040] =	vst v63  }
.LBB2_10:
0x49: {  	_ =	sfence.sel $0x180000  }
0x4a: {  	s2 =	simm.s32 $0x2;
	[bflag:$0x0] =	sbarrier.arrive $0xFFFF  }
0x4b: {  	s30 =	simm.s32 $0x3;
	[sflag:s2] =	ssyncpa.u1 $0x1  }
0x4c: {  	s31 =	simm.s32 $0x1;
	[sflag:s30] =	ssyncpa.u1 $0x1  }
0x4d: {  	[sflag:s31] =	ssyncpa.u1 $0x1  }
0x4e: {  	p0 =	sne.s32 s1, $0x0;
	_ =	strace $0x9000004D  }
0x4f: {  	s0 =	sadd.s32 @!p0 $0x100000, s0;
	[bflag:$0x2] =	sbarrier.arrive $0xFFFF  }
0x50: {  	[sflag:s0] =	ssyncadd.tile.s32 @!p0 $0x1;
	_ =	shalt  }
.Lfunc_end2:
_tile_overlayer_lowered:
.L_overlay_start_2:
0x51: {  	(tag) =	ssettag $0x2  }
0x52: {  	s0 =	rddreg [dreg:$0x0];
	s2 =	stileid.u32  }
0x53: {  	s1 =	rddreg [dreg:$0x1];
	p0 =	sne.s32 s2, $0x0  }
0x54: {  	s3 =	rddreg [dreg:$0x2];
	[bflag:$0x3] =	sbarrier.arrive $0xFFFF;
	s2 =	simm.s32 @!p0 $0x1C01  }
0x55: {  	[timem:s3], [sflag:s2] =	dma.local @!p0 [hbm:s0], s1  }
0x56: {  	s0 =	simm.s32 @!p0 $0x1  }
0x57: {  	_ =	swait.ge @!p0 [sflag:s0], s1  }
0x58: {  	s1 =	ssub.s32 @!p0 $0x0, s1;
	[sflag:s0] =	ssyncset.done @!p0 $0x0  }
0x59: {  	[sflag:s0] =	ssyncadd.s32 @!p0 s1  }
0x5a: {  	[bflag:$0x3] =	sbarrier.arrive $0xFFFF  }
0x5b: {  	_ =	shalt  }

</sc_bundles>
